<compile_context>
chip_gen: v7x
topology: tpu7x:2x2x1
jax: 0.10.2.dev20260603
libtpu: 0.0.44.dev20260713+nightly
codegen_flags: <defaults>
</compile_context>

<pallas_src>
import jax
import jax.numpy as jnp
from jax import lax
from jax.experimental import pallas as pl
from jax.experimental.pallas import tpu as pltpu
from jax.experimental.pallas import tpu_sc as plsc

N = 10000
E = 320000
D = 128
NC = 2
NS = 16
NW = NC * NS
EPW = E // NW
NPT = N // NS
N_PAD = 10240
SENT = N
HIT_CAP = EPW + NPT + 32
VEC = 16

import dataclasses
import functools


def _sc_params():
    cp = pltpu.CompilerParams()
    if "needs_layout_passes" in pltpu.CompilerParams.__dataclass_fields__:
        cp = dataclasses.replace(cp, needs_layout_passes=False)
    return cp


@functools.lru_cache(maxsize=1)
def _mesh():
    return plsc.VectorSubcoreMesh(core_axis_name="c", subcore_axis_name="s",
                                  num_cores=NC, num_subcores=NS)


def _hist_body(edges, hs_out, hd_out, hc_out, src_v, dst_v, hs, hd, hc, sem):
    cid = lax.axis_index("c")
    sid = lax.axis_index("s")
    wid = cid * NS + sid
    base = wid * EPW
    pltpu.async_copy(edges.at[pl.ds(base, EPW)], src_v, sem).wait()
    pltpu.async_copy(edges.at[pl.ds(E + base, EPW)], dst_v, sem).wait()

    zi = jnp.zeros((VEC,), jnp.int32)

    @pl.loop(0, N_PAD, step=VEC)
    def _(i):
        hs[pl.ds(i, VEC)] = zi
        hd[pl.ds(i, VEC)] = zi
        hc[pl.ds(i, VEC)] = zi

    @pl.loop(0, EPW, step=VEC)
    def _(i):
        s = src_v[pl.ds(i, VEC)]
        d = dst_v[pl.ds(i, VEC)]
        c1, m1 = plsc.scan_count(s)
        plsc.addupdate_scatter(hs, [s], c1, mask=m1)
        c2, m2 = plsc.scan_count(d)
        plsc.addupdate_scatter(hd, [d], c2, mask=m2)
        c3, m3 = plsc.scan_count(s, mask=d == 0)
        plsc.addupdate_scatter(hc, [s], c3, mask=m3)

    pltpu.sync_copy(hs, hs_out.at[pl.ds(wid * N_PAD, N_PAD)])
    pltpu.sync_copy(hd, hd_out.at[pl.ds(wid * N_PAD, N_PAD)])
    pltpu.sync_copy(hc, hc_out.at[pl.ds(wid * N_PAD, N_PAD)])


@functools.lru_cache(maxsize=1)
def _hist():
    return pl.kernel(
    _hist_body,
    out_type=tuple(jax.ShapeDtypeStruct((NW * N_PAD,), jnp.int32) for _ in range(3)),
    mesh=_mesh(),
    scratch_types=[
        pltpu.VMEM((EPW,), jnp.int32),
        pltpu.VMEM((EPW,), jnp.int32),
        pltpu.VMEM((N_PAD,), jnp.int32),
        pltpu.VMEM((N_PAD,), jnp.int32),
        pltpu.VMEM((N_PAD,), jnp.int32),
        pltpu.SemaphoreType.DMA,
    ],
    compiler_params=_sc_params(),
    )


def _norm_body(hs_ref, hd_ref, hc_ref, flag_ref, nsrc_ref, ndst_ref, w2_ref):
    cs = jnp.sum(hs_ref[...], axis=0)
    cd = jnp.sum(hd_ref[...], axis=0)
    cc = jnp.sum(hc_ref[...], axis=0)
    r = lax.broadcasted_iota(jnp.int32, (N_PAD // 128, 128), 0)
    c = lax.broadcasted_iota(jnp.int32, (N_PAD // 128, 128), 1)
    is0 = (r * 128 + c) == 0
    nsrc = lax.rsqrt((cs + 1).astype(jnp.float32))
    ndst = lax.rsqrt((cd + 1).astype(jnp.float32))
    flag_ref[...] = ((cc > 0) | is0).astype(jnp.int32)
    nsrc_ref[...] = nsrc
    ndst_ref[...] = ndst
    w2_ref[...] = (cc.astype(jnp.float32) + is0.astype(jnp.float32)) * nsrc * ndst[0:1, 0:1]


_norm = pl.pallas_call(
    _norm_body,
    out_shape=(
        jax.ShapeDtypeStruct((N_PAD // 128, 128), jnp.int32),
        jax.ShapeDtypeStruct((N_PAD // 128, 128), jnp.float32),
        jax.ShapeDtypeStruct((N_PAD // 128, 128), jnp.float32),
        jax.ShapeDtypeStruct((N_PAD // 128, 128), jnp.float32),
    ),
)


WIN = 2000
HIT_WCAP = WIN + VEC


def _agg_body(edges, x, flag_h, nsrc_h, zer_h, acc_out,
              src_v, dst_v, flag_v, nsrc_v, hit_s, hit_d, rows_v,
              acc_sh, sem):
    cid = lax.axis_index("c")
    sid = lax.axis_index("s")
    wid = cid * NS + sid
    base = wid * EPW
    pltpu.async_copy(flag_h, flag_v, sem).wait()
    pltpu.async_copy(nsrc_h, nsrc_v, sem).wait()
    pltpu.async_copy(zer_h, rows_v, sem).wait()
    iota = lax.iota(jnp.int32, VEC)
    vbase = sid * NPT
    nsweep = NS * ((NPT + VEC - 1) // VEC)

    @pl.loop(0, nsweep, step=VEC)
    def _(i):
        v = vbase + i + iota
        m = (plsc.load_gather(flag_v, [v]) != 0) & (i + iota < NPT)

        @pl.when(jnp.sum(m.astype(jnp.int32)) > 0)
        def _():
            idx = jnp.where(m, v, SENT)
            pltpu.sync_copy(rows_v, acc_sh.at[idx])

    plsc.subcore_barrier()

    def drain(cnt):
        nch = (cnt + VEC - 1) // VEC

        @pl.loop(0, nch)
        def _(j):
            off = j * VEC
            s16 = hit_s[pl.ds(off, VEC)]
            d16 = hit_d[pl.ds(off, VEC)]
            pltpu.async_copy(x.at[s16], rows_v, sem).wait()
            nv = plsc.load_gather(nsrc_v, [s16])

            @pl.loop(0, D)
            def _(f):
                fv = jnp.full((VEC,), f, jnp.int32)
                cv = plsc.load_gather(rows_v, [iota, fv])
                plsc.store_scatter(rows_v, [iota, fv], cv * nv)

            pltpu.sync_copy(rows_v, acc_sh.at[d16], add=True)

    @pl.loop(0, EPW, step=WIN)
    def _(w):
        pltpu.async_copy(edges.at[pl.ds(base + w, WIN)], src_v, sem).wait()
        pltpu.async_copy(edges.at[pl.ds(E + base + w, WIN)], dst_v, sem).wait()

        @pl.loop(0, WIN, step=VEC, init_carry=jnp.int32(0))
        def cnt_e(i, cnt):
            s = src_v[pl.ds(i, VEC)]
            d = dst_v[pl.ds(i, VEC)]
            m = plsc.load_gather(flag_v, [d]) != 0
            plsc.store_compressed(hit_s.at[pl.ds(cnt, VEC)], s, mask=m)
            plsc.store_compressed(hit_d.at[pl.ds(cnt, VEC)], d, mask=m)
            return cnt + jnp.sum(m.astype(jnp.int32))

        cnt = cnt_e
        hit_s[pl.ds(cnt, VEC)] = jnp.zeros((VEC,), jnp.int32)
        hit_d[pl.ds(cnt, VEC)] = jnp.full((VEC,), SENT, jnp.int32)
        drain(cnt)

    @pl.when(cid == 0)
    def _():
        @pl.loop(0, (NPT + VEC - 1) // VEC * VEC, step=VEC,
                 init_carry=jnp.int32(0))
        def cnt_s(i, cnt):
            v = vbase + i + iota
            m = (plsc.load_gather(flag_v, [v]) != 0) & (i + iota < NPT)
            plsc.store_compressed(hit_s.at[pl.ds(cnt, VEC)], v, mask=m)
            plsc.store_compressed(hit_d.at[pl.ds(cnt, VEC)], v, mask=m)
            return cnt + jnp.sum(m.astype(jnp.int32))

        cnt = cnt_s
        hit_s[pl.ds(cnt, VEC)] = jnp.zeros((VEC,), jnp.int32)
        hit_d[pl.ds(cnt, VEC)] = jnp.full((VEC,), SENT, jnp.int32)
        drain(cnt)

    plsc.subcore_barrier()

    rpt = N_PAD // NS
    pltpu.sync_copy(acc_sh.at[pl.ds(sid * rpt, rpt)],
                    acc_out.at[cid, pl.ds(sid * rpt, rpt)])


@functools.lru_cache(maxsize=1)
def _agg():
    return pl.kernel(
    _agg_body,
    out_type=jax.ShapeDtypeStruct((NC, N_PAD, D), jnp.float32),
    mesh=_mesh(),
    scratch_types=[
        pltpu.VMEM((WIN,), jnp.int32),
        pltpu.VMEM((WIN,), jnp.int32),
        pltpu.VMEM((N_PAD,), jnp.int32),
        pltpu.VMEM((N_PAD,), jnp.float32),
        pltpu.VMEM((HIT_WCAP,), jnp.int32),
        pltpu.VMEM((HIT_WCAP,), jnp.int32),
        pltpu.VMEM((VEC, D), jnp.float32),
        pltpu.VMEM_SHARED((N_PAD, D), jnp.float32),
        pltpu.SemaphoreType.DMA,
    ],
    compiler_params=_sc_params(),
    )


def _final_body(acc_ref, ndst_ref, flag_ref, w2_ref, w0_ref, b0_ref, w1_ref,
                b1_ref, out_ref):
    a = acc_ref[0] + acc_ref[1]
    a = a * ndst_ref[...]
    h = jnp.dot(a, w0_ref[...], precision=lax.Precision.HIGHEST,
                preferred_element_type=jnp.float32)
    h = jnp.maximum(h + b0_ref[...], 0.0)
    h = jnp.where(flag_ref[...] != 0, h, 0.0)
    v1 = jnp.dot(w2_ref[...], h, precision=lax.Precision.HIGHEST,
                 preferred_element_type=jnp.float32)
    v2 = jnp.maximum(jnp.dot(v1, w1_ref[...], precision=lax.Precision.HIGHEST,
                             preferred_element_type=jnp.float32) + b1_ref[...],
                     0.0)
    out_ref[...] = jnp.concatenate([v2, v2], axis=1)


_final = pl.pallas_call(
    _final_body,
    out_shape=jax.ShapeDtypeStruct((1, 2 * D), jnp.float32),
)


def kernel(node_feats, edge_index, W0, b0, W1, b1):
    edges_flat = edge_index.reshape(2 * E)
    hs, hd, hc = _hist()(edges_flat)
    flag, nsrc, ndst, w2 = _norm(
        hs.reshape(NW, N_PAD // 128, 128),
        hd.reshape(NW, N_PAD // 128, 128),
        hc.reshape(NW, N_PAD // 128, 128),
    )
    acc = _agg()(edges_flat, node_feats, flag.reshape(N_PAD),
               nsrc.reshape(N_PAD), jnp.zeros((VEC, D), jnp.float32))
    out = _final(acc, ndst.reshape(N_PAD, 1), flag.reshape(N_PAD, 1),
                 w2.reshape(1, N_PAD), W0, b0.reshape(1, D), W1,
                 b1.reshape(1, D))
    return out

# --- scband reference (transcript-rebuilt; emitter-appended) ---
"""Pipeline reference for scband-gcn-54039278519097 (READ-ONLY COPY).

The authoritative reference and input builder live on the scoring server;
editing this copy changes nothing except your own understanding.
"""

import jax, jax.numpy as jnp
import numpy as np

N = 10000
E = 320000
D_IN = 128
HIDDEN = [128, 128]


def setup_inputs(seed: int = 0) -> dict:
    key = jax.random.key(seed)
    k1, k2, k3, k4, k5, k6 = jax.random.split(key, 6)
    node_feats = jax.random.normal(k1, (N, D_IN), dtype=jnp.float32)
    edge_index = jax.random.randint(k2, (2, E), 0, N, dtype=jnp.int32)
    s0 = 1.0 / np.sqrt(D_IN)
    W0 = jax.random.normal(k3, (D_IN, HIDDEN[0]), dtype=jnp.float32) * s0
    b0 = jnp.zeros((HIDDEN[0],), dtype=jnp.float32)
    s1 = 1.0 / np.sqrt(HIDDEN[0])
    W1 = jax.random.normal(k4, (HIDDEN[0], HIDDEN[1]), dtype=jnp.float32) * s1
    b1 = jnp.zeros((HIDDEN[1],), dtype=jnp.float32)
    return {"node_feats": node_feats, "edge_index": edge_index, "W0": W0, "b0": b0, "W1": W1, "b1": b1}


def reference(node_feats, edge_index, W0, b0, W1, b1):
    n = node_feats.shape[0]
    # dgl.add_self_loop (allow_zero_in_degree=False path)
    loop = jnp.arange(n, dtype=edge_index.dtype)
    src = jnp.concatenate([edge_index[0], loop])
    dst = jnp.concatenate([edge_index[1], loop])
    # GraphConv norm='both': D_out^{-1/2} on source, D_in^{-1/2} on dest
    out_deg = jnp.zeros((n,), jnp.float32).at[src].add(1.0)
    in_deg = jnp.zeros((n,), jnp.float32).at[dst].add(1.0)
    norm_src = jax.lax.rsqrt(jnp.maximum(out_deg, 1.0))
    norm_dst = jax.lax.rsqrt(jnp.maximum(in_deg, 1.0))
    h = node_feats
    for (W, b) in ((W0, b0), (W1, b1)):
        m = h * norm_src[:, None]
        agg = jnp.zeros((n, m.shape[1]), dtype=m.dtype).at[dst].add(m[src])
        agg = agg * norm_dst[:, None]
        h = jax.nn.relu(agg @ W + b)
    # with_pooling_func=False branch
    graph_feats = jnp.concatenate((h[0], h[0]))[None, :]
    return graph_feats

if __name__ == "__main__":
    import jax
    _d = setup_inputs()
    print(jax.jit(kernel)(*tuple(_d.values())))

</pallas_src>

<mosaic_0001>
#map = affine_map<(d0, d1) -> (0)>
module attributes {stable_mosaic.version = 14 : i64} {
  func.func @_hist_body(%arg0: i32, %arg1: i32, %arg2: memref<640000xi32, #tpu.memory_space<hbm>>, %arg3: memref<327680xi32, #tpu.memory_space<hbm>>, %arg4: memref<327680xi32, #tpu.memory_space<hbm>>, %arg5: memref<327680xi32, #tpu.memory_space<hbm>>, %arg6: memref<10000xi32, #tpu.memory_space<vmem>>, %arg7: memref<10000xi32, #tpu.memory_space<vmem>>, %arg8: memref<10240xi32, #tpu.memory_space<vmem>>, %arg9: memref<10240xi32, #tpu.memory_space<vmem>>, %arg10: memref<10240xi32, #tpu.memory_space<vmem>>, %arg11: memref<!tpu.dma_semaphore, #tpu.memory_space<semaphore_mem>>) attributes {dimension_semantics = [#tpu.dimension_semantics<core_parallel>, #tpu.dimension_semantics<subcore_parallel>], iteration_bounds = array<i64: 2, 16>, scalar_prefetch = 0 : i64, scratch_operands = 6 : i64, tpu.core_type = #tpu.core_type<sc_vector_subcore>, window_params = [{transform_indices = #map}, {transform_indices = #map}, {transform_indices = #map}, {transform_indices = #map}]} {
    %mul3A = arith.constant 16 : i32
    %mul3A_0 = arith.muli %arg0, %mul3A : i32
    %add3A = arith.addi %mul3A_0, %arg1 : i32
    %mul3A_1 = arith.constant 10000 : i32
    %mul3A_2 = arith.muli %add3A, %mul3A_1 : i32
    %dma_start3A = tpu.memref_slice %arg2[%mul3A_2] : memref<640000xi32, #tpu.memory_space<hbm>> -> memref<10000xi32, #tpu.memory_space<hbm>>
    %dma_start3A_3 = tpu.memref_slice %arg2[%mul3A_2] : memref<640000xi32, #tpu.memory_space<hbm>> -> memref<10000xi32, #tpu.memory_space<hbm>>
    tpu.enqueue_dma source(%dma_start3A_3 : memref<10000xi32, #tpu.memory_space<hbm>>) target(%arg6 : memref<10000xi32, #tpu.memory_space<vmem>>) target_semaphore(%arg11 : memref<!tpu.dma_semaphore, #tpu.memory_space<semaphore_mem>>)
    %dma_wait3A = tpu.memref_slice %arg2[%mul3A_2] : memref<640000xi32, #tpu.memory_space<hbm>> -> memref<10000xi32, #tpu.memory_space<hbm>>
    %dma_wait3A_4 = tpu.memref_slice %arg2[%mul3A_2] : memref<640000xi32, #tpu.memory_space<hbm>> -> memref<10000xi32, #tpu.memory_space<hbm>>
    tpu.wait_dma2 semaphore(%arg11 : memref<!tpu.dma_semaphore, #tpu.memory_space<semaphore_mem>>) src(%dma_wait3A_4 : memref<10000xi32, #tpu.memory_space<hbm>>) dst(%arg6 : memref<10000xi32, #tpu.memory_space<vmem>>)
    %add3A_5 = arith.constant 320000 : i32
    %add3A_6 = arith.addi %add3A_5, %mul3A_2 : i32
    %dma_start3A_7 = tpu.memref_slice %arg2[%add3A_6] : memref<640000xi32, #tpu.memory_space<hbm>> -> memref<10000xi32, #tpu.memory_space<hbm>>
    %dma_start3A_8 = tpu.memref_slice %arg2[%add3A_6] : memref<640000xi32, #tpu.memory_space<hbm>> -> memref<10000xi32, #tpu.memory_space<hbm>>
    tpu.enqueue_dma source(%dma_start3A_8 : memref<10000xi32, #tpu.memory_space<hbm>>) target(%arg7 : memref<10000xi32, #tpu.memory_space<vmem>>) target_semaphore(%arg11 : memref<!tpu.dma_semaphore, #tpu.memory_space<semaphore_mem>>)
    %dma_wait3A_9 = tpu.memref_slice %arg2[%add3A_6] : memref<640000xi32, #tpu.memory_space<hbm>> -> memref<10000xi32, #tpu.memory_space<hbm>>
    %dma_wait3A_10 = tpu.memref_slice %arg2[%add3A_6] : memref<640000xi32, #tpu.memory_space<hbm>> -> memref<10000xi32, #tpu.memory_space<hbm>>
    tpu.wait_dma2 semaphore(%arg11 : memref<!tpu.dma_semaphore, #tpu.memory_space<semaphore_mem>>) src(%dma_wait3A_10 : memref<10000xi32, #tpu.memory_space<hbm>>) dst(%arg7 : memref<10000xi32, #tpu.memory_space<vmem>>)
    %broadcast_in_dim3A = arith.constant 0 : i32
    %broadcast_in_dim3A_11 = vector.broadcast %broadcast_in_dim3A : i32 to vector<16xi32>
    %scan3A = arith.constant 0 : i32
    %scan3A_12 = arith.constant 640 : i32
    %scan3A_13 = arith.addi %scan3A, %scan3A_12 : i32
    %scan3A_14 = arith.constant 1 : i32
    scf.for %scan3A_27 = %scan3A to %scan3A_13 step %scan3A_14  : i32 {
      %mul3A_28 = arith.constant 16 : i32
      %mul3A_29 = arith.muli %scan3A_27, %mul3A_28 : i32
      %add3A_30 = arith.constant 0 : i32
      %add3A_31 = arith.addi %add3A_30, %mul3A_29 : i32
      %swap3A = arith.index_cast %add3A_31 : i32 to index
      %swap3A_32 = tpu.vector_load %arg8[%swap3A] {strides = array<i32>} : memref<10240xi32, #tpu.memory_space<vmem>>, vector<16xi32>,
      tpu.vector_store %arg8[%swap3A], %broadcast_in_dim3A_11 {strides = array<i32>} : memref<10240xi32, #tpu.memory_space<vmem>>, vector<16xi32>,
      %swap3A_33 = arith.index_cast %add3A_31 : i32 to index
      %swap3A_34 = tpu.vector_load %arg9[%swap3A_33] {strides = array<i32>} : memref<10240xi32, #tpu.memory_space<vmem>>, vector<16xi32>,
      tpu.vector_store %arg9[%swap3A_33], %broadcast_in_dim3A_11 {strides = array<i32>} : memref<10240xi32, #tpu.memory_space<vmem>>, vector<16xi32>,
      %swap3A_35 = arith.index_cast %add3A_31 : i32 to index
      %swap3A_36 = tpu.vector_load %arg10[%swap3A_35] {strides = array<i32>} : memref<10240xi32, #tpu.memory_space<vmem>>, vector<16xi32>,
      tpu.vector_store %arg10[%swap3A_35], %broadcast_in_dim3A_11 {strides = array<i32>} : memref<10240xi32, #tpu.memory_space<vmem>>, vector<16xi32>,
    }
    %scan3A_15 = arith.constant 640 : i32
    %scan3A_16 = arith.constant 0 : i32
    %scan3A_17 = arith.constant 625 : i32
    %scan3A_18 = arith.addi %scan3A_16, %scan3A_17 : i32
    %scan3A_19 = arith.constant 1 : i32
    scf.for %scan3A_27 = %scan3A_16 to %scan3A_18 step %scan3A_19  : i32 {
      %mul3A_28 = arith.constant 16 : i32
      %mul3A_29 = arith.muli %scan3A_27, %mul3A_28 : i32
      %add3A_30 = arith.constant 0 : i32
      %add3A_31 = arith.addi %add3A_30, %mul3A_29 : i32
      %get3A = arith.index_cast %add3A_31 : i32 to index
      %get3A_32 = tpu.vector_load %arg6[%get3A] {strides = array<i32>} : memref<10000xi32, #tpu.memory_space<vmem>>, vector<16xi32>,
      %get3A_33 = arith.index_cast %add3A_31 : i32 to index
      %get3A_34 = tpu.vector_load %arg7[%get3A_33] {strides = array<i32>} : memref<10000xi32, #tpu.memory_space<vmem>>, vector<16xi32>,
      %broadcast_in_dim3A_35 = arith.constant true
      %broadcast_in_dim3A_36 = vector.broadcast %broadcast_in_dim3A_35 : i1 to vector<16xi1>
      %unique3A, %unique3A_37 = tpu.scan_count mask(%broadcast_in_dim3A_36 : vector<16xi1>) value(%get3A_32 : vector<16xi32>) : vector<16xi1>, vector<16xi32>
      tpu.vector_store_idx %arg8[%get3A_32], %unique3A_37 masked %unique3A {add = true} : memref<10240xi32, #tpu.memory_space<vmem>>[vector<16xi32>], vector<16xi32>, vector<16xi1>
      %broadcast_in_dim3A_38 = arith.constant true
      %broadcast_in_dim3A_39 = vector.broadcast %broadcast_in_dim3A_38 : i1 to vector<16xi1>
      %unique3A_40, %unique3A_41 = tpu.scan_count mask(%broadcast_in_dim3A_39 : vector<16xi1>) value(%get3A_34 : vector<16xi32>) : vector<16xi1>, vector<16xi32>
      tpu.vector_store_idx %arg9[%get3A_34], %unique3A_41 masked %unique3A_40 {add = true} : memref<10240xi32, #tpu.memory_space<vmem>>[vector<16xi32>], vector<16xi32>, vector<16xi1>
      %eq3A = arith.constant 0 : i32
      %eq3A_42 = vector.broadcast %eq3A : i32 to vector<16xi32>
      %eq3A_43 = arith.cmpi eq, %get3A_34, %eq3A_42 : vector<16xi32>
      %unique3A_44, %unique3A_45 = tpu.scan_count mask(%eq3A_43 : vector<16xi1>) value(%get3A_32 : vector<16xi32>) : vector<16xi1>, vector<16xi32>
      tpu.vector_store_idx %arg10[%get3A_32], %unique3A_45 masked %unique3A_44 {add = true} : memref<10240xi32, #tpu.memory_space<vmem>>[vector<16xi32>], vector<16xi32>, vector<16xi1>
    }
    %scan3A_20 = arith.constant 625 : i32
    %mul3A_21 = arith.constant 10240 : i32
    %mul3A_22 = arith.muli %add3A, %mul3A_21 : i32
    "tpu.region"() ({
      %run_scoped3A = tpu.sem_alloc : memref<!tpu.dma_semaphore, #tpu.memory_space<semaphore_mem>>
      %dma_start3A_27 = tpu.memref_slice %arg3[%mul3A_22] : memref<327680xi32, #tpu.memory_space<hbm>> -> memref<10240xi32, #tpu.memory_space<hbm>>
      %dma_start3A_28 = tpu.memref_slice %arg3[%mul3A_22] : memref<327680xi32, #tpu.memory_space<hbm>> -> memref<10240xi32, #tpu.memory_space<hbm>>
      tpu.enqueue_dma source(%arg8 : memref<10240xi32, #tpu.memory_space<vmem>>) target(%dma_start3A_28 : memref<10240xi32, #tpu.memory_space<hbm>>) target_semaphore(%run_scoped3A : memref<!tpu.dma_semaphore, #tpu.memory_space<semaphore_mem>>)
      %dma_wait3A_29 = tpu.memref_slice %arg3[%mul3A_22] : memref<327680xi32, #tpu.memory_space<hbm>> -> memref<10240xi32, #tpu.memory_space<hbm>>
      %dma_wait3A_30 = tpu.memref_slice %arg3[%mul3A_22] : memref<327680xi32, #tpu.memory_space<hbm>> -> memref<10240xi32, #tpu.memory_space<hbm>>
      tpu.wait_dma2 semaphore(%run_scoped3A : memref<!tpu.dma_semaphore, #tpu.memory_space<semaphore_mem>>) src(%arg8 : memref<10240xi32, #tpu.memory_space<vmem>>) dst(%dma_wait3A_30 : memref<10240xi32, #tpu.memory_space<hbm>>)
      tpu.yield
    }) : () -> ()
    %mul3A_23 = arith.constant 10240 : i32
    %mul3A_24 = arith.muli %add3A, %mul3A_23 : i32
    "tpu.region"() ({
      %run_scoped3A = tpu.sem_alloc : memref<!tpu.dma_semaphore, #tpu.memory_space<semaphore_mem>>
      %dma_start3A_27 = tpu.memref_slice %arg4[%mul3A_24] : memref<327680xi32, #tpu.memory_space<hbm>> -> memref<10240xi32, #tpu.memory_space<hbm>>
      %dma_start3A_28 = tpu.memref_slice %arg4[%mul3A_24] : memref<327680xi32, #tpu.memory_space<hbm>> -> memref<10240xi32, #tpu.memory_space<hbm>>
      tpu.enqueue_dma source(%arg9 : memref<10240xi32, #tpu.memory_space<vmem>>) target(%dma_start3A_28 : memref<10240xi32, #tpu.memory_space<hbm>>) target_semaphore(%run_scoped3A : memref<!tpu.dma_semaphore, #tpu.memory_space<semaphore_mem>>)
      %dma_wait3A_29 = tpu.memref_slice %arg4[%mul3A_24] : memref<327680xi32, #tpu.memory_space<hbm>> -> memref<10240xi32, #tpu.memory_space<hbm>>
      %dma_wait3A_30 = tpu.memref_slice %arg4[%mul3A_24] : memref<327680xi32, #tpu.memory_space<hbm>> -> memref<10240xi32, #tpu.memory_space<hbm>>
      tpu.wait_dma2 semaphore(%run_scoped3A : memref<!tpu.dma_semaphore, #tpu.memory_space<semaphore_mem>>) src(%arg9 : memref<10240xi32, #tpu.memory_space<vmem>>) dst(%dma_wait3A_30 : memref<10240xi32, #tpu.memory_space<hbm>>)
      tpu.yield
    }) : () -> ()
    %mul3A_25 = arith.constant 10240 : i32
    %mul3A_26 = arith.muli %add3A, %mul3A_25 : i32
    "tpu.region"() ({
      %run_scoped3A = tpu.sem_alloc : memref<!tpu.dma_semaphore, #tpu.memory_space<semaphore_mem>>
      %dma_start3A_27 = tpu.memref_slice %arg5[%mul3A_26] : memref<327680xi32, #tpu.memory_space<hbm>> -> memref<10240xi32, #tpu.memory_space<hbm>>
      %dma_start3A_28 = tpu.memref_slice %arg5[%mul3A_26] : memref<327680xi32, #tpu.memory_space<hbm>> -> memref<10240xi32, #tpu.memory_space<hbm>>
      tpu.enqueue_dma source(%arg10 : memref<10240xi32, #tpu.memory_space<vmem>>) target(%dma_start3A_28 : memref<10240xi32, #tpu.memory_space<hbm>>) target_semaphore(%run_scoped3A : memref<!tpu.dma_semaphore, #tpu.memory_space<semaphore_mem>>)
      %dma_wait3A_29 = tpu.memref_slice %arg5[%mul3A_26] : memref<327680xi32, #tpu.memory_space<hbm>> -> memref<10240xi32, #tpu.memory_space<hbm>>
      %dma_wait3A_30 = tpu.memref_slice %arg5[%mul3A_26] : memref<327680xi32, #tpu.memory_space<hbm>> -> memref<10240xi32, #tpu.memory_space<hbm>>
      tpu.wait_dma2 semaphore(%run_scoped3A : memref<!tpu.dma_semaphore, #tpu.memory_space<semaphore_mem>>) src(%arg10 : memref<10240xi32, #tpu.memory_space<vmem>>) dst(%dma_wait3A_30 : memref<10240xi32, #tpu.memory_space<hbm>>)
      tpu.yield
    }) : () -> ()
    return
  }
}

#map = affine_map<(d0, d1) -> (0)>
#map1 = affine_map<(d0, d1) -> (0, 0)>
#map2 = affine_map<(d0, d1) -> (0, 0, 0)>
module attributes {stable_mosaic.version = 14 : i64} {
  func.func @_agg_body(%arg0: i32, %arg1: i32, %arg2: memref<640000xi32, #tpu.memory_space<hbm>>, %arg3: memref<10000x128xf32, #tpu.memory_space<hbm>>, %arg4: memref<10240xi32, #tpu.memory_space<hbm>>, %arg5: memref<10240xf32, #tpu.memory_space<hbm>>, %arg6: memref<16x128xf32, #tpu.memory_space<hbm>>, %arg7: memref<2x10240x128xf32, #tpu.memory_space<hbm>>, %arg8: memref<2000xi32, #tpu.memory_space<vmem>>, %arg9: memref<2000xi32, #tpu.memory_space<vmem>>, %arg10: memref<10240xi32, #tpu.memory_space<vmem>>, %arg11: memref<10240xf32, #tpu.memory_space<vmem>>, %arg12: memref<2016xi32, #tpu.memory_space<vmem>>, %arg13: memref<2016xi32, #tpu.memory_space<vmem>>, %arg14: memref<16x128xf32, #tpu.memory_space<vmem>>, %arg15: memref<10240x128xf32, #tpu.memory_space<vmem_shared>>, %arg16: memref<!tpu.dma_semaphore, #tpu.memory_space<semaphore_mem>>) attributes {dimension_semantics = [#tpu.dimension_semantics<core_parallel>, #tpu.dimension_semantics<subcore_parallel>], iteration_bounds = array<i64: 2, 16>, scalar_prefetch = 0 : i64, scratch_operands = 9 : i64, tpu.core_type = #tpu.core_type<sc_vector_subcore>, window_params = [{transform_indices = #map}, {transform_indices = #map1}, {transform_indices = #map}, {transform_indices = #map}, {transform_indices = #map1}, {transform_indices = #map2}]} {
    %mul3A = arith.constant 16 : i32
    %mul3A_0 = arith.muli %arg0, %mul3A : i32
    %add3A = arith.addi %mul3A_0, %arg1 : i32
    %mul3A_1 = arith.constant 10000 : i32
    %mul3A_2 = arith.muli %add3A, %mul3A_1 : i32
    tpu.enqueue_dma source(%arg4 : memref<10240xi32, #tpu.memory_space<hbm>>) target(%arg10 : memref<10240xi32, #tpu.memory_space<vmem>>) target_semaphore(%arg16 : memref<!tpu.dma_semaphore, #tpu.memory_space<semaphore_mem>>)
    tpu.wait_dma2 semaphore(%arg16 : memref<!tpu.dma_semaphore, #tpu.memory_space<semaphore_mem>>) src(%arg4 : memref<10240xi32, #tpu.memory_space<hbm>>) dst(%arg10 : memref<10240xi32, #tpu.memory_space<vmem>>)
    tpu.enqueue_dma source(%arg5 : memref<10240xf32, #tpu.memory_space<hbm>>) target(%arg11 : memref<10240xf32, #tpu.memory_space<vmem>>) target_semaphore(%arg16 : memref<!tpu.dma_semaphore, #tpu.memory_space<semaphore_mem>>)
    tpu.wait_dma2 semaphore(%arg16 : memref<!tpu.dma_semaphore, #tpu.memory_space<semaphore_mem>>) src(%arg5 : memref<10240xf32, #tpu.memory_space<hbm>>) dst(%arg11 : memref<10240xf32, #tpu.memory_space<vmem>>)
    tpu.enqueue_dma source(%arg6 : memref<16x128xf32, #tpu.memory_space<hbm>>) target(%arg14 : memref<16x128xf32, #tpu.memory_space<vmem>>) target_semaphore(%arg16 : memref<!tpu.dma_semaphore, #tpu.memory_space<semaphore_mem>>)
    tpu.wait_dma2 semaphore(%arg16 : memref<!tpu.dma_semaphore, #tpu.memory_space<semaphore_mem>>) src(%arg6 : memref<16x128xf32, #tpu.memory_space<hbm>>) dst(%arg14 : memref<16x128xf32, #tpu.memory_space<vmem>>)
    %iota3A = tpu.iota {dimensions = array<i32: 0>} : vector<16xi32>
    %mul3A_3 = arith.constant 625 : i32
    %mul3A_4 = arith.muli %arg1, %mul3A_3 : i32
    %scan3A = arith.constant 0 : i32
    %scan3A_5 = arith.constant 40 : i32
    %scan3A_6 = arith.addi %scan3A, %scan3A_5 : i32
    %scan3A_7 = arith.constant 1 : i32
    scf.for %scan3A_21 = %scan3A to %scan3A_6 step %scan3A_7  : i32 {
      %mul3A_22 = arith.constant 16 : i32
      %mul3A_23 = arith.muli %scan3A_21, %mul3A_22 : i32
      %add3A_24 = arith.constant 0 : i32
      %add3A_25 = arith.addi %add3A_24, %mul3A_23 : i32
      %add3A_26 = arith.addi %mul3A_4, %add3A_25 : i32
      %add3A_27 = vector.broadcast %add3A_26 : i32 to vector<16xi32>
      %add3A_28 = arith.addi %add3A_27, %iota3A : vector<16xi32>
      %gather3A = tpu.vector_load_idx %arg10[%add3A_28] : memref<10240xi32, #tpu.memory_space<vmem>>[vector<16xi32>], vector<16xi32>,
      %ne3A = arith.constant 0 : i32
      %ne3A_29 = vector.broadcast %ne3A : i32 to vector<16xi32>
      %ne3A_30 = arith.cmpi ne, %gather3A, %ne3A_29 : vector<16xi32>
      %add3A_31 = vector.broadcast %add3A_25 : i32 to vector<16xi32>
      %add3A_32 = arith.addi %add3A_31, %iota3A : vector<16xi32>
      %lt3A = arith.constant 625 : i32
      %lt3A_33 = vector.broadcast %lt3A : i32 to vector<16xi32>
      %lt3A_34 = arith.cmpi slt, %add3A_32, %lt3A_33 : vector<16xi32>
      %and3A = arith.andi %ne3A_30, %lt3A_34 : vector<16xi1>
      %convert_element_type3A_35 = arith.extui %and3A : vector<16xi1> to vector<16xi32>
      %reduce_sum3A = arith.constant true
      %reduce_sum3A_36 = vector.broadcast %reduce_sum3A : i1 to vector<16xi1>
      %reduce_sum3A_37 = tpu.scan <sum>, %convert_element_type3A_35 masked %reduce_sum3A_36 : vector<16xi32>, vector<16xi1> -> vector<16xi32>
      %reduce_sum3A_38 = vector.extract %reduce_sum3A_37[15] : i32 from vector<16xi32>
      %gt3A = arith.constant 0 : i32
      %gt3A_39 = arith.cmpi sgt, %reduce_sum3A_38, %gt3A : i32
      %convert_element_type3A_40 = arith.extui %gt3A_39 : i1 to i32
      %cond3A_41 = arith.constant 0 : i32
      %cond3A_42 = arith.cmpi ne, %convert_element_type3A_40, %cond3A_41 : i32
      scf.if %cond3A_42 {
        %jit3A = arith.constant 10000 : i32
        %broadcast_in_dim3A = vector.broadcast %jit3A : i32 to vector<16xi32>
        %select_n3A = arith.select %and3A, %add3A_28, %broadcast_in_dim3A : vector<16xi1>, vector<16xi32>
        "tpu.region"() ({
          %run_scoped3A = tpu.sem_alloc : memref<!tpu.dma_semaphore, #tpu.memory_space<semaphore_mem>>
          %dma_start3A = arith.constant 0 : i32
          %dma_start3A_43 = arith.constant 0 : i32
          %dma_start3A_44 = tpu.memref_slice %arg15[%dma_start3A, %dma_start3A_43] : memref<10240x128xf32, #tpu.memory_space<vmem_shared>> -> memref<10240x128xf32, #tpu.memory_space<vmem_shared>>
          tpu.enqueue_indirect_dma source(%arg14 : memref<16x128xf32, #tpu.memory_space<vmem>>) target(%dma_start3A_44 : memref<10240x128xf32, #tpu.memory_space<vmem_shared>>) offsets(%select_n3A : vector<16xi32>) semaphore(%run_scoped3A : memref<!tpu.dma_semaphore, #tpu.memory_space<semaphore_mem>>)
          %dma_wait3A = arith.constant 0 : i32
          %dma_wait3A_45 = arith.constant 0 : i32
          %dma_wait3A_46 = tpu.memref_slice %arg15[%dma_wait3A, %dma_wait3A_45] : memref<10240x128xf32, #tpu.memory_space<vmem_shared>> -> memref<10240x128xf32, #tpu.memory_space<vmem_shared>>
          tpu.wait_indirect_dma semaphore(%run_scoped3A : memref<!tpu.dma_semaphore, #tpu.memory_space<semaphore_mem>>) src(%arg14 : memref<16x128xf32, #tpu.memory_space<vmem>>) dst(%dma_wait3A_46 : memref<10240x128xf32, #tpu.memory_space<vmem_shared>>)
          tpu.yield
        }) : () -> ()
      } else {
      }
    }
    %scan3A_8 = arith.constant 40 : i32
    %barrier3A = arith.constant 0 : index
    tpu.barrier barrier_id(%barrier3A)
    %scan3A_9 = arith.constant 0 : i32
    %scan3A_10 = arith.constant 5 : i32
    %scan3A_11 = arith.addi %scan3A_9, %scan3A_10 : i32
    %scan3A_12 = arith.constant 1 : i32
    scf.for %scan3A_21 = %scan3A_9 to %scan3A_11 step %scan3A_12  : i32 {
      %mul3A_22 = arith.constant 2000 : i32
      %mul3A_23 = arith.muli %scan3A_21, %mul3A_22 : i32
      %add3A_24 = arith.constant 0 : i32
      %add3A_25 = arith.addi %add3A_24, %mul3A_23 : i32
      %add3A_26 = arith.addi %mul3A_2, %add3A_25 : i32
      %dma_start3A = tpu.memref_slice %arg2[%add3A_26] : memref<640000xi32, #tpu.memory_space<hbm>> -> memref<2000xi32, #tpu.memory_space<hbm>>
      %dma_start3A_27 = tpu.memref_slice %arg2[%add3A_26] : memref<640000xi32, #tpu.memory_space<hbm>> -> memref<2000xi32, #tpu.memory_space<hbm>>
      tpu.enqueue_dma source(%dma_start3A_27 : memref<2000xi32, #tpu.memory_space<hbm>>) target(%arg8 : memref<2000xi32, #tpu.memory_space<vmem>>) target_semaphore(%arg16 : memref<!tpu.dma_semaphore, #tpu.memory_space<semaphore_mem>>)
      %dma_wait3A = tpu.memref_slice %arg2[%add3A_26] : memref<640000xi32, #tpu.memory_space<hbm>> -> memref<2000xi32, #tpu.memory_space<hbm>>
      %dma_wait3A_28 = tpu.memref_slice %arg2[%add3A_26] : memref<640000xi32, #tpu.memory_space<hbm>> -> memref<2000xi32, #tpu.memory_space<hbm>>
      tpu.wait_dma2 semaphore(%arg16 : memref<!tpu.dma_semaphore, #tpu.memory_space<semaphore_mem>>) src(%dma_wait3A_28 : memref<2000xi32, #tpu.memory_space<hbm>>) dst(%arg8 : memref<2000xi32, #tpu.memory_space<vmem>>)
      %add3A_29 = arith.constant 320000 : i32
      %add3A_30 = arith.addi %add3A_29, %mul3A_2 : i32
      %add3A_31 = arith.addi %add3A_30, %add3A_25 : i32
      %dma_start3A_32 = tpu.memref_slice %arg2[%add3A_31] : memref<640000xi32, #tpu.memory_space<hbm>> -> memref<2000xi32, #tpu.memory_space<hbm>>
      %dma_start3A_33 = tpu.memref_slice %arg2[%add3A_31] : memref<640000xi32, #tpu.memory_space<hbm>> -> memref<2000xi32, #tpu.memory_space<hbm>>
      tpu.enqueue_dma source(%dma_start3A_33 : memref<2000xi32, #tpu.memory_space<hbm>>) target(%arg9 : memref<2000xi32, #tpu.memory_space<vmem>>) target_semaphore(%arg16 : memref<!tpu.dma_semaphore, #tpu.memory_space<semaphore_mem>>)
      %dma_wait3A_34 = tpu.memref_slice %arg2[%add3A_31] : memref<640000xi32, #tpu.memory_space<hbm>> -> memref<2000xi32, #tpu.memory_space<hbm>>
      %dma_wait3A_35 = tpu.memref_slice %arg2[%add3A_31] : memref<640000xi32, #tpu.memory_space<hbm>> -> memref<2000xi32, #tpu.memory_space<hbm>>
      tpu.wait_dma2 semaphore(%arg16 : memref<!tpu.dma_semaphore, #tpu.memory_space<semaphore_mem>>) src(%dma_wait3A_35 : memref<2000xi32, #tpu.memory_space<hbm>>) dst(%arg9 : memref<2000xi32, #tpu.memory_space<vmem>>)
      %scan3A_36 = arith.constant 0 : i32
      %scan3A_37 = arith.constant 0 : i32
      %scan3A_38 = arith.constant 125 : i32
      %scan3A_39 = arith.addi %scan3A_37, %scan3A_38 : i32
      %scan3A_40 = arith.constant 1 : i32
      %scan3A_41 = scf.for %scan3A_87 = %scan3A_37 to %scan3A_39 step %scan3A_40 iter_args(%scan3A_88 = %scan3A_36) -> (i32)  : i32 {
        %mul3A_89 = arith.constant 16 : i32
        %mul3A_90 = arith.muli %scan3A_87, %mul3A_89 : i32
        %add3A_91 = arith.constant 0 : i32
        %add3A_92 = arith.addi %add3A_91, %mul3A_90 : i32
        %get3A = arith.index_cast %add3A_92 : i32 to index
        %get3A_93 = tpu.vector_load %arg8[%get3A] {strides = array<i32>} : memref<2000xi32, #tpu.memory_space<vmem>>, vector<16xi32>,
        %get3A_94 = arith.index_cast %add3A_92 : i32 to index
        %get3A_95 = tpu.vector_load %arg9[%get3A_94] {strides = array<i32>} : memref<2000xi32, #tpu.memory_space<vmem>>, vector<16xi32>,
        %gather3A = tpu.vector_load_idx %arg10[%get3A_95] : memref<10240xi32, #tpu.memory_space<vmem>>[vector<16xi32>], vector<16xi32>,
        %ne3A_96 = arith.constant 0 : i32
        %ne3A_97 = vector.broadcast %ne3A_96 : i32 to vector<16xi32>
        %ne3A_98 = arith.cmpi ne, %gather3A, %ne3A_97 : vector<16xi32>
        %swap3A_99 = arith.index_cast %scan3A_88 : i32 to index
        %swap3A_100 = tpu.vector_load %arg12[%swap3A_99] masked %ne3A_98 {strides = array<i32>} : memref<2016xi32, #tpu.memory_space<vmem>>, vector<16xi32>, vector<16xi1>
        tpu.vector_store %arg12[%swap3A_99], %get3A_93 masked %ne3A_98 {strides = array<i32>} : memref<2016xi32, #tpu.memory_space<vmem>>, vector<16xi32>, vector<16xi1>
        %swap3A_101 = arith.index_cast %scan3A_88 : i32 to index
        %swap3A_102 = tpu.vector_load %arg13[%swap3A_101] masked %ne3A_98 {strides = array<i32>} : memref<2016xi32, #tpu.memory_space<vmem>>, vector<16xi32>, vector<16xi1>
        tpu.vector_store %arg13[%swap3A_101], %get3A_95 masked %ne3A_98 {strides = array<i32>} : memref<2016xi32, #tpu.memory_space<vmem>>, vector<16xi32>, vector<16xi1>
        %convert_element_type3A_103 = arith.extui %ne3A_98 : vector<16xi1> to vector<16xi32>
        %reduce_sum3A = arith.constant true
        %reduce_sum3A_104 = vector.broadcast %reduce_sum3A : i1 to vector<16xi1>
        %reduce_sum3A_105 = tpu.scan <sum>, %convert_element_type3A_103 masked %reduce_sum3A_104 : vector<16xi32>, vector<16xi1> -> vector<16xi32>
        %reduce_sum3A_106 = vector.extract %reduce_sum3A_105[15] : i32 from vector<16xi32>
        %add3A_107 = arith.addi %scan3A_88, %reduce_sum3A_106 : i32
        scf.yield %add3A_107 : i32
      }
      %scan3A_42 = arith.constant 125 : i32
      %broadcast_in_dim3A = arith.constant 0 : i32
      %broadcast_in_dim3A_43 = vector.broadcast %broadcast_in_dim3A : i32 to vector<16xi32>
      %swap3A = arith.index_cast %scan3A_41 : i32 to index
      %swap3A_44 = tpu.vector_load %arg12[%swap3A] {strides = array<i32>} : memref<2016xi32, #tpu.memory_space<vmem>>, vector<16xi32>,
      tpu.vector_store %arg12[%swap3A], %broadcast_in_dim3A_43 {strides = array<i32>} : memref<2016xi32, #tpu.memory_space<vmem>>, vector<16xi32>,
      %broadcast_in_dim3A_45 = arith.constant 10000 : i32
      %broadcast_in_dim3A_46 = vector.broadcast %broadcast_in_dim3A_45 : i32 to vector<16xi32>
      %swap3A_47 = arith.index_cast %scan3A_41 : i32 to index
      %swap3A_48 = tpu.vector_load %arg13[%swap3A_47] {strides = array<i32>} : memref<2016xi32, #tpu.memory_space<vmem>>, vector<16xi32>,
      tpu.vector_store %arg13[%swap3A_47], %broadcast_in_dim3A_46 {strides = array<i32>} : memref<2016xi32, #tpu.memory_space<vmem>>, vector<16xi32>,
      %add3A_49 = arith.constant 16 : i32
      %add3A_50 = arith.addi %scan3A_41, %add3A_49 : i32
      %sub3A = arith.constant 1 : i32
      %sub3A_51 = arith.subi %add3A_50, %sub3A : i32
      %jit3A = arith.constant 16 : i32
      %div3A = arith.divsi %sub3A_51, %jit3A : i32
      %sign3A = arith.constant 0 : i32
      %sign3A_52 = arith.cmpi sgt, %sub3A_51, %sign3A : i32
      %sign3A_53 = arith.extui %sign3A_52 : i1 to i32
      %sign3A_54 = arith.constant 0 : i32
      %sign3A_55 = arith.cmpi slt, %sub3A_51, %sign3A_54 : i32
      %sign3A_56 = arith.extui %sign3A_55 : i1 to i32
      %sign3A_57 = arith.subi %sign3A_53, %sign3A_56 : i32
      %sign3A_58 = arith.constant 0 : i32
      %sign3A_59 = arith.cmpi sgt, %jit3A, %sign3A_58 : i32
      %sign3A_60 = arith.extui %sign3A_59 : i1 to i32
      %sign3A_61 = arith.constant 0 : i32
      %sign3A_62 = arith.cmpi slt, %jit3A, %sign3A_61 : i32
      %sign3A_63 = arith.extui %sign3A_62 : i1 to i32
      %sign3A_64 = arith.subi %sign3A_60, %sign3A_63 : i32
      %ne3A = arith.cmpi ne, %sign3A_57, %sign3A_64 : i32
      %rem3A = arith.remsi %sub3A_51, %jit3A : i32
      %ne3A_65 = arith.constant 0 : i32
      %ne3A_66 = arith.cmpi ne, %rem3A, %ne3A_65 : i32
      %and3A = arith.andi %ne3A, %ne3A_66 : i1
      %sub3A_67 = arith.constant 1 : i32
      %sub3A_68 = arith.subi %div3A, %sub3A_67 : i32
      %select_n3A = arith.select %and3A, %sub3A_68, %div3A : i32
      %sub3A_69 = arith.constant 0 : i32
      %sub3A_70 = arith.subi %select_n3A, %sub3A_69 : i32
      %sub3A_71 = arith.constant 1 : i32
      %sub3A_72 = arith.constant 1 : i32
      %sub3A_73 = arith.subi %sub3A_71, %sub3A_72 : i32
      %add3A_74 = arith.addi %sub3A_70, %sub3A_73 : i32
      %div3A_75 = arith.constant 1 : i32
      %div3A_76 = arith.divsi %add3A_74, %div3A_75 : i32
      %while3A = arith.constant 1 : i32
      %while3A_77 = arith.constant 0 : i32
      %while3A_78 = arith.constant 0 : i32
      %while3A_79 = arith.subi %div3A_76, %while3A_78 : i32
      %while3A_80 = arith.addi %while3A_78, %while3A_79 : i32
      %while3A_81 = arith.constant 1 : i32
      %while3A_82 = arith.divsi %while3A_79, %while3A_81 : i32
      %while3A_83 = arith.muli %while3A_82, %while3A_81 : i32
      %while3A_84 = arith.addi %while3A_78, %while3A_83 : i32
      %while3A_85 = arith.constant 1 : i32
      scf.for %while3A_87 = %while3A_78 to %while3A_84 step %while3A_85  : i32 {
        %mul3A_88 = arith.muli %while3A_87, %while3A : i32
        %add3A_89 = arith.addi %while3A_77, %mul3A_88 : i32
        %mul3A_90 = arith.constant 16 : i32
        %mul3A_91 = arith.muli %add3A_89, %mul3A_90 : i32
        %get3A = arith.index_cast %mul3A_91 : i32 to index
        %get3A_92 = tpu.vector_load %arg12[%get3A] {strides = array<i32>} : memref<2016xi32, #tpu.memory_space<vmem>>, vector<16xi32>,
        %get3A_93 = arith.index_cast %mul3A_91 : i32 to index
        %get3A_94 = tpu.vector_load %arg13[%get3A_93] {strides = array<i32>} : memref<2016xi32, #tpu.memory_space<vmem>>, vector<16xi32>,
        %dma_start3A_95 = arith.constant 0 : i32
        %dma_start3A_96 = arith.constant 0 : i32
        %dma_start3A_97 = tpu.memref_slice %arg3[%dma_start3A_95, %dma_start3A_96] : memref<10000x128xf32, #tpu.memory_space<hbm>> -> memref<10000x128xf32, #tpu.memory_space<hbm>>
        tpu.enqueue_indirect_dma source(%dma_start3A_97 : memref<10000x128xf32, #tpu.memory_space<hbm>>) target(%arg14 : memref<16x128xf32, #tpu.memory_space<vmem>>) offsets(%get3A_92 : vector<16xi32>) semaphore(%arg16 : memref<!tpu.dma_semaphore, #tpu.memory_space<semaphore_mem>>)
        %dma_wait3A_98 = arith.constant 0 : i32
        %dma_wait3A_99 = arith.constant 0 : i32
        %dma_wait3A_100 = tpu.memref_slice %arg3[%dma_wait3A_98, %dma_wait3A_99] : memref<10000x128xf32, #tpu.memory_space<hbm>> -> memref<10000x128xf32, #tpu.memory_space<hbm>>
        tpu.wait_indirect_dma semaphore(%arg16 : memref<!tpu.dma_semaphore, #tpu.memory_space<semaphore_mem>>) src(%dma_wait3A_100 : memref<10000x128xf32, #tpu.memory_space<hbm>>) dst(%arg14 : memref<16x128xf32, #tpu.memory_space<vmem>>)
        %gather3A = tpu.vector_load_idx %arg11[%get3A_92] : memref<10240xf32, #tpu.memory_space<vmem>>[vector<16xi32>], vector<16xf32>,
        %scan3A_101 = arith.constant 0 : i32
        %scan3A_102 = arith.constant 128 : i32
        %scan3A_103 = arith.addi %scan3A_101, %scan3A_102 : i32
        %scan3A_104 = arith.constant 1 : i32
        scf.for %scan3A_106 = %scan3A_101 to %scan3A_103 step %scan3A_104  : i32 {
          %mul3A_107 = arith.constant 1 : i32
          %mul3A_108 = arith.muli %scan3A_106, %mul3A_107 : i32
          %add3A_109 = arith.constant 0 : i32
          %add3A_110 = arith.addi %add3A_109, %mul3A_108 : i32
          %broadcast_in_dim3A_111 = vector.broadcast %add3A_110 : i32 to vector<16xi32>
          %gather3A_112 = tpu.vector_load_idx %arg14[%iota3A, %broadcast_in_dim3A_111] : memref<16x128xf32, #tpu.memory_space<vmem>>[vector<16xi32>, vector<16xi32>], vector<16xf32>,
          %mul3A_113 = arith.mulf %gather3A_112, %gather3A : vector<16xf32>
          tpu.vector_store_idx %arg14[%iota3A, %broadcast_in_dim3A_111], %mul3A_113 : memref<16x128xf32, #tpu.memory_space<vmem>>[vector<16xi32>, vector<16xi32>], vector<16xf32>,
        }
        %scan3A_105 = arith.constant 128 : i32
        "tpu.region"() ({
          %run_scoped3A = tpu.sem_alloc : memref<!tpu.dma_semaphore, #tpu.memory_space<semaphore_mem>>
          %dma_start3A_106 = arith.constant 0 : i32
          %dma_start3A_107 = arith.constant 0 : i32
          %dma_start3A_108 = tpu.memref_slice %arg15[%dma_start3A_106, %dma_start3A_107] : memref<10240x128xf32, #tpu.memory_space<vmem_shared>> -> memref<10240x128xf32, #tpu.memory_space<vmem_shared>>
          tpu.enqueue_indirect_dma source(%arg14 : memref<16x128xf32, #tpu.memory_space<vmem>>) target(%dma_start3A_108 : memref<10240x128xf32, #tpu.memory_space<vmem_shared>>) offsets(%get3A_94 : vector<16xi32>) semaphore(%run_scoped3A : memref<!tpu.dma_semaphore, #tpu.memory_space<semaphore_mem>>) {add = true}
          %dma_wait3A_109 = arith.constant 0 : i32
          %dma_wait3A_110 = arith.constant 0 : i32
          %dma_wait3A_111 = tpu.memref_slice %arg15[%dma_wait3A_109, %dma_wait3A_110] : memref<10240x128xf32, #tpu.memory_space<vmem_shared>> -> memref<10240x128xf32, #tpu.memory_space<vmem_shared>>
          tpu.wait_indirect_dma semaphore(%run_scoped3A : memref<!tpu.dma_semaphore, #tpu.memory_space<semaphore_mem>>) src(%arg14 : memref<16x128xf32, #tpu.memory_space<vmem>>) dst(%dma_wait3A_111 : memref<10240x128xf32, #tpu.memory_space<vmem_shared>>)
          tpu.yield
        }) : () -> ()
      }
      %while3A_86 = arith.constant 1 : i32
      scf.for %while3A_87 = %while3A_84 to %while3A_80 step %while3A_86  : i32 {
        %mul3A_88 = arith.muli %while3A_87, %while3A : i32
        %add3A_89 = arith.addi %while3A_77, %mul3A_88 : i32
        %mul3A_90 = arith.constant 16 : i32
        %mul3A_91 = arith.muli %add3A_89, %mul3A_90 : i32
        %get3A = arith.index_cast %mul3A_91 : i32 to index
        %get3A_92 = tpu.vector_load %arg12[%get3A] {strides = array<i32>} : memref<2016xi32, #tpu.memory_space<vmem>>, vector<16xi32>,
        %get3A_93 = arith.index_cast %mul3A_91 : i32 to index
        %get3A_94 = tpu.vector_load %arg13[%get3A_93] {strides = array<i32>} : memref<2016xi32, #tpu.memory_space<vmem>>, vector<16xi32>,
        %dma_start3A_95 = arith.constant 0 : i32
        %dma_start3A_96 = arith.constant 0 : i32
        %dma_start3A_97 = tpu.memref_slice %arg3[%dma_start3A_95, %dma_start3A_96] : memref<10000x128xf32, #tpu.memory_space<hbm>> -> memref<10000x128xf32, #tpu.memory_space<hbm>>
        tpu.enqueue_indirect_dma source(%dma_start3A_97 : memref<10000x128xf32, #tpu.memory_space<hbm>>) target(%arg14 : memref<16x128xf32, #tpu.memory_space<vmem>>) offsets(%get3A_92 : vector<16xi32>) semaphore(%arg16 : memref<!tpu.dma_semaphore, #tpu.memory_space<semaphore_mem>>)
        %dma_wait3A_98 = arith.constant 0 : i32
        %dma_wait3A_99 = arith.constant 0 : i32
        %dma_wait3A_100 = tpu.memref_slice %arg3[%dma_wait3A_98, %dma_wait3A_99] : memref<10000x128xf32, #tpu.memory_space<hbm>> -> memref<10000x128xf32, #tpu.memory_space<hbm>>
        tpu.wait_indirect_dma semaphore(%arg16 : memref<!tpu.dma_semaphore, #tpu.memory_space<semaphore_mem>>) src(%dma_wait3A_100 : memref<10000x128xf32, #tpu.memory_space<hbm>>) dst(%arg14 : memref<16x128xf32, #tpu.memory_space<vmem>>)
        %gather3A = tpu.vector_load_idx %arg11[%get3A_92] : memref<10240xf32, #tpu.memory_space<vmem>>[vector<16xi32>], vector<16xf32>,
        %scan3A_101 = arith.constant 0 : i32
        %scan3A_102 = arith.constant 128 : i32
        %scan3A_103 = arith.addi %scan3A_101, %scan3A_102 : i32
        %scan3A_104 = arith.constant 1 : i32
        scf.for %scan3A_106 = %scan3A_101 to %scan3A_103 step %scan3A_104  : i32 {
          %mul3A_107 = arith.constant 1 : i32
          %mul3A_108 = arith.muli %scan3A_106, %mul3A_107 : i32
          %add3A_109 = arith.constant 0 : i32
          %add3A_110 = arith.addi %add3A_109, %mul3A_108 : i32
          %broadcast_in_dim3A_111 = vector.broadcast %add3A_110 : i32 to vector<16xi32>
          %gather3A_112 = tpu.vector_load_idx %arg14[%iota3A, %broadcast_in_dim3A_111] : memref<16x128xf32, #tpu.memory_space<vmem>>[vector<16xi32>, vector<16xi32>], vector<16xf32>,
          %mul3A_113 = arith.mulf %gather3A_112, %gather3A : vector<16xf32>
          tpu.vector_store_idx %arg14[%iota3A, %broadcast_in_dim3A_111], %mul3A_113 : memref<16x128xf32, #tpu.memory_space<vmem>>[vector<16xi32>, vector<16xi32>], vector<16xf32>,
        }
        %scan3A_105 = arith.constant 128 : i32
        "tpu.region"() ({
          %run_scoped3A = tpu.sem_alloc : memref<!tpu.dma_semaphore, #tpu.memory_space<semaphore_mem>>
          %dma_start3A_106 = arith.constant 0 : i32
          %dma_start3A_107 = arith.constant 0 : i32
          %dma_start3A_108 = tpu.memref_slice %arg15[%dma_start3A_106, %dma_start3A_107] : memref<10240x128xf32, #tpu.memory_space<vmem_shared>> -> memref<10240x128xf32, #tpu.memory_space<vmem_shared>>
          tpu.enqueue_indirect_dma source(%arg14 : memref<16x128xf32, #tpu.memory_space<vmem>>) target(%dma_start3A_108 : memref<10240x128xf32, #tpu.memory_space<vmem_shared>>) offsets(%get3A_94 : vector<16xi32>) semaphore(%run_scoped3A : memref<!tpu.dma_semaphore, #tpu.memory_space<semaphore_mem>>) {add = true}
          %dma_wait3A_109 = arith.constant 0 : i32
          %dma_wait3A_110 = arith.constant 0 : i32
          %dma_wait3A_111 = tpu.memref_slice %arg15[%dma_wait3A_109, %dma_wait3A_110] : memref<10240x128xf32, #tpu.memory_space<vmem_shared>> -> memref<10240x128xf32, #tpu.memory_space<vmem_shared>>
          tpu.wait_indirect_dma semaphore(%run_scoped3A : memref<!tpu.dma_semaphore, #tpu.memory_space<semaphore_mem>>) src(%arg14 : memref<16x128xf32, #tpu.memory_space<vmem>>) dst(%dma_wait3A_111 : memref<10240x128xf32, #tpu.memory_space<vmem_shared>>)
          tpu.yield
        }) : () -> ()
      }
    }
    %scan3A_13 = arith.constant 5 : i32
    %eq3A = arith.constant 0 : i32
    %eq3A_14 = arith.cmpi eq, %arg0, %eq3A : i32
    %convert_element_type3A = arith.extui %eq3A_14 : i1 to i32
    %cond3A = arith.constant 0 : i32
    %cond3A_15 = arith.cmpi ne, %convert_element_type3A, %cond3A : i32
    scf.if %cond3A_15 {
      %scan3A_21 = arith.constant 0 : i32
      %scan3A_22 = arith.constant 0 : i32
      %scan3A_23 = arith.constant 40 : i32
      %scan3A_24 = arith.addi %scan3A_22, %scan3A_23 : i32
      %scan3A_25 = arith.constant 1 : i32
      %scan3A_26 = scf.for %scan3A_72 = %scan3A_22 to %scan3A_24 step %scan3A_25 iter_args(%scan3A_73 = %scan3A_21) -> (i32)  : i32 {
        %mul3A_74 = arith.constant 16 : i32
        %mul3A_75 = arith.muli %scan3A_72, %mul3A_74 : i32
        %add3A_76 = arith.constant 0 : i32
        %add3A_77 = arith.addi %add3A_76, %mul3A_75 : i32
        %add3A_78 = arith.addi %mul3A_4, %add3A_77 : i32
        %add3A_79 = vector.broadcast %add3A_78 : i32 to vector<16xi32>
        %add3A_80 = arith.addi %add3A_79, %iota3A : vector<16xi32>
        %gather3A = tpu.vector_load_idx %arg10[%add3A_80] : memref<10240xi32, #tpu.memory_space<vmem>>[vector<16xi32>], vector<16xi32>,
        %ne3A_81 = arith.constant 0 : i32
        %ne3A_82 = vector.broadcast %ne3A_81 : i32 to vector<16xi32>
        %ne3A_83 = arith.cmpi ne, %gather3A, %ne3A_82 : vector<16xi32>
        %add3A_84 = vector.broadcast %add3A_77 : i32 to vector<16xi32>
        %add3A_85 = arith.addi %add3A_84, %iota3A : vector<16xi32>
        %lt3A = arith.constant 625 : i32
        %lt3A_86 = vector.broadcast %lt3A : i32 to vector<16xi32>
        %lt3A_87 = arith.cmpi slt, %add3A_85, %lt3A_86 : vector<16xi32>
        %and3A_88 = arith.andi %ne3A_83, %lt3A_87 : vector<16xi1>
        %swap3A_89 = arith.index_cast %scan3A_73 : i32 to index
        %swap3A_90 = tpu.vector_load %arg12[%swap3A_89] masked %and3A_88 {strides = array<i32>} : memref<2016xi32, #tpu.memory_space<vmem>>, vector<16xi32>, vector<16xi1>
        tpu.vector_store %arg12[%swap3A_89], %add3A_80 masked %and3A_88 {strides = array<i32>} : memref<2016xi32, #tpu.memory_space<vmem>>, vector<16xi32>, vector<16xi1>
        %swap3A_91 = arith.index_cast %scan3A_73 : i32 to index
        %swap3A_92 = tpu.vector_load %arg13[%swap3A_91] masked %and3A_88 {strides = array<i32>} : memref<2016xi32, #tpu.memory_space<vmem>>, vector<16xi32>, vector<16xi1>
        tpu.vector_store %arg13[%swap3A_91], %add3A_80 masked %and3A_88 {strides = array<i32>} : memref<2016xi32, #tpu.memory_space<vmem>>, vector<16xi32>, vector<16xi1>
        %convert_element_type3A_93 = arith.extui %and3A_88 : vector<16xi1> to vector<16xi32>
        %reduce_sum3A = arith.constant true
        %reduce_sum3A_94 = vector.broadcast %reduce_sum3A : i1 to vector<16xi1>
        %reduce_sum3A_95 = tpu.scan <sum>, %convert_element_type3A_93 masked %reduce_sum3A_94 : vector<16xi32>, vector<16xi1> -> vector<16xi32>
        %reduce_sum3A_96 = vector.extract %reduce_sum3A_95[15] : i32 from vector<16xi32>
        %add3A_97 = arith.addi %scan3A_73, %reduce_sum3A_96 : i32
        scf.yield %add3A_97 : i32
      }
      %scan3A_27 = arith.constant 40 : i32
      %broadcast_in_dim3A = arith.constant 0 : i32
      %broadcast_in_dim3A_28 = vector.broadcast %broadcast_in_dim3A : i32 to vector<16xi32>
      %swap3A = arith.index_cast %scan3A_26 : i32 to index
      %swap3A_29 = tpu.vector_load %arg12[%swap3A] {strides = array<i32>} : memref<2016xi32, #tpu.memory_space<vmem>>, vector<16xi32>,
      tpu.vector_store %arg12[%swap3A], %broadcast_in_dim3A_28 {strides = array<i32>} : memref<2016xi32, #tpu.memory_space<vmem>>, vector<16xi32>,
      %broadcast_in_dim3A_30 = arith.constant 10000 : i32
      %broadcast_in_dim3A_31 = vector.broadcast %broadcast_in_dim3A_30 : i32 to vector<16xi32>
      %swap3A_32 = arith.index_cast %scan3A_26 : i32 to index
      %swap3A_33 = tpu.vector_load %arg13[%swap3A_32] {strides = array<i32>} : memref<2016xi32, #tpu.memory_space<vmem>>, vector<16xi32>,
      tpu.vector_store %arg13[%swap3A_32], %broadcast_in_dim3A_31 {strides = array<i32>} : memref<2016xi32, #tpu.memory_space<vmem>>, vector<16xi32>,
      %add3A_34 = arith.constant 16 : i32
      %add3A_35 = arith.addi %scan3A_26, %add3A_34 : i32
      %sub3A = arith.constant 1 : i32
      %sub3A_36 = arith.subi %add3A_35, %sub3A : i32
      %jit3A = arith.constant 16 : i32
      %div3A = arith.divsi %sub3A_36, %jit3A : i32
      %sign3A = arith.constant 0 : i32
      %sign3A_37 = arith.cmpi sgt, %sub3A_36, %sign3A : i32
      %sign3A_38 = arith.extui %sign3A_37 : i1 to i32
      %sign3A_39 = arith.constant 0 : i32
      %sign3A_40 = arith.cmpi slt, %sub3A_36, %sign3A_39 : i32
      %sign3A_41 = arith.extui %sign3A_40 : i1 to i32
      %sign3A_42 = arith.subi %sign3A_38, %sign3A_41 : i32
      %sign3A_43 = arith.constant 0 : i32
      %sign3A_44 = arith.cmpi sgt, %jit3A, %sign3A_43 : i32
      %sign3A_45 = arith.extui %sign3A_44 : i1 to i32
      %sign3A_46 = arith.constant 0 : i32
      %sign3A_47 = arith.cmpi slt, %jit3A, %sign3A_46 : i32
      %sign3A_48 = arith.extui %sign3A_47 : i1 to i32
      %sign3A_49 = arith.subi %sign3A_45, %sign3A_48 : i32
      %ne3A = arith.cmpi ne, %sign3A_42, %sign3A_49 : i32
      %rem3A = arith.remsi %sub3A_36, %jit3A : i32
      %ne3A_50 = arith.constant 0 : i32
      %ne3A_51 = arith.cmpi ne, %rem3A, %ne3A_50 : i32
      %and3A = arith.andi %ne3A, %ne3A_51 : i1
      %sub3A_52 = arith.constant 1 : i32
      %sub3A_53 = arith.subi %div3A, %sub3A_52 : i32
      %select_n3A = arith.select %and3A, %sub3A_53, %div3A : i32
      %sub3A_54 = arith.constant 0 : i32
      %sub3A_55 = arith.subi %select_n3A, %sub3A_54 : i32
      %sub3A_56 = arith.constant 1 : i32
      %sub3A_57 = arith.constant 1 : i32
      %sub3A_58 = arith.subi %sub3A_56, %sub3A_57 : i32
      %add3A_59 = arith.addi %sub3A_55, %sub3A_58 : i32
      %div3A_60 = arith.constant 1 : i32
      %div3A_61 = arith.divsi %add3A_59, %div3A_60 : i32
      %while3A = arith.constant 1 : i32
      %while3A_62 = arith.constant 0 : i32
      %while3A_63 = arith.constant 0 : i32
      %while3A_64 = arith.subi %div3A_61, %while3A_63 : i32
      %while3A_65 = arith.addi %while3A_63, %while3A_64 : i32
      %while3A_66 = arith.constant 1 : i32
      %while3A_67 = arith.divsi %while3A_64, %while3A_66 : i32
      %while3A_68 = arith.muli %while3A_67, %while3A_66 : i32
      %while3A_69 = arith.addi %while3A_63, %while3A_68 : i32
      %while3A_70 = arith.constant 1 : i32
      scf.for %while3A_72 = %while3A_63 to %while3A_69 step %while3A_70  : i32 {
        %mul3A_73 = arith.muli %while3A_72, %while3A : i32
        %add3A_74 = arith.addi %while3A_62, %mul3A_73 : i32
        %mul3A_75 = arith.constant 16 : i32
        %mul3A_76 = arith.muli %add3A_74, %mul3A_75 : i32
        %get3A = arith.index_cast %mul3A_76 : i32 to index
        %get3A_77 = tpu.vector_load %arg12[%get3A] {strides = array<i32>} : memref<2016xi32, #tpu.memory_space<vmem>>, vector<16xi32>,
        %get3A_78 = arith.index_cast %mul3A_76 : i32 to index
        %get3A_79 = tpu.vector_load %arg13[%get3A_78] {strides = array<i32>} : memref<2016xi32, #tpu.memory_space<vmem>>, vector<16xi32>,
        %dma_start3A = arith.constant 0 : i32
        %dma_start3A_80 = arith.constant 0 : i32
        %dma_start3A_81 = tpu.memref_slice %arg3[%dma_start3A, %dma_start3A_80] : memref<10000x128xf32, #tpu.memory_space<hbm>> -> memref<10000x128xf32, #tpu.memory_space<hbm>>
        tpu.enqueue_indirect_dma source(%dma_start3A_81 : memref<10000x128xf32, #tpu.memory_space<hbm>>) target(%arg14 : memref<16x128xf32, #tpu.memory_space<vmem>>) offsets(%get3A_77 : vector<16xi32>) semaphore(%arg16 : memref<!tpu.dma_semaphore, #tpu.memory_space<semaphore_mem>>)
        %dma_wait3A = arith.constant 0 : i32
        %dma_wait3A_82 = arith.constant 0 : i32
        %dma_wait3A_83 = tpu.memref_slice %arg3[%dma_wait3A, %dma_wait3A_82] : memref<10000x128xf32, #tpu.memory_space<hbm>> -> memref<10000x128xf32, #tpu.memory_space<hbm>>
        tpu.wait_indirect_dma semaphore(%arg16 : memref<!tpu.dma_semaphore, #tpu.memory_space<semaphore_mem>>) src(%dma_wait3A_83 : memref<10000x128xf32, #tpu.memory_space<hbm>>) dst(%arg14 : memref<16x128xf32, #tpu.memory_space<vmem>>)
        %gather3A = tpu.vector_load_idx %arg11[%get3A_77] : memref<10240xf32, #tpu.memory_space<vmem>>[vector<16xi32>], vector<16xf32>,
        %scan3A_84 = arith.constant 0 : i32
        %scan3A_85 = arith.constant 128 : i32
        %scan3A_86 = arith.addi %scan3A_84, %scan3A_85 : i32
        %scan3A_87 = arith.constant 1 : i32
        scf.for %scan3A_89 = %scan3A_84 to %scan3A_86 step %scan3A_87  : i32 {
          %mul3A_90 = arith.constant 1 : i32
          %mul3A_91 = arith.muli %scan3A_89, %mul3A_90 : i32
          %add3A_92 = arith.constant 0 : i32
          %add3A_93 = arith.addi %add3A_92, %mul3A_91 : i32
          %broadcast_in_dim3A_94 = vector.broadcast %add3A_93 : i32 to vector<16xi32>
          %gather3A_95 = tpu.vector_load_idx %arg14[%iota3A, %broadcast_in_dim3A_94] : memref<16x128xf32, #tpu.memory_space<vmem>>[vector<16xi32>, vector<16xi32>], vector<16xf32>,
          %mul3A_96 = arith.mulf %gather3A_95, %gather3A : vector<16xf32>
          tpu.vector_store_idx %arg14[%iota3A, %broadcast_in_dim3A_94], %mul3A_96 : memref<16x128xf32, #tpu.memory_space<vmem>>[vector<16xi32>, vector<16xi32>], vector<16xf32>,
        }
        %scan3A_88 = arith.constant 128 : i32
        "tpu.region"() ({
          %run_scoped3A = tpu.sem_alloc : memref<!tpu.dma_semaphore, #tpu.memory_space<semaphore_mem>>
          %dma_start3A_89 = arith.constant 0 : i32
          %dma_start3A_90 = arith.constant 0 : i32
          %dma_start3A_91 = tpu.memref_slice %arg15[%dma_start3A_89, %dma_start3A_90] : memref<10240x128xf32, #tpu.memory_space<vmem_shared>> -> memref<10240x128xf32, #tpu.memory_space<vmem_shared>>
          tpu.enqueue_indirect_dma source(%arg14 : memref<16x128xf32, #tpu.memory_space<vmem>>) target(%dma_start3A_91 : memref<10240x128xf32, #tpu.memory_space<vmem_shared>>) offsets(%get3A_79 : vector<16xi32>) semaphore(%run_scoped3A : memref<!tpu.dma_semaphore, #tpu.memory_space<semaphore_mem>>) {add = true}
          %dma_wait3A_92 = arith.constant 0 : i32
          %dma_wait3A_93 = arith.constant 0 : i32
          %dma_wait3A_94 = tpu.memref_slice %arg15[%dma_wait3A_92, %dma_wait3A_93] : memref<10240x128xf32, #tpu.memory_space<vmem_shared>> -> memref<10240x128xf32, #tpu.memory_space<vmem_shared>>
          tpu.wait_indirect_dma semaphore(%run_scoped3A : memref<!tpu.dma_semaphore, #tpu.memory_space<semaphore_mem>>) src(%arg14 : memref<16x128xf32, #tpu.memory_space<vmem>>) dst(%dma_wait3A_94 : memref<10240x128xf32, #tpu.memory_space<vmem_shared>>)
          tpu.yield
        }) : () -> ()
      }
      %while3A_71 = arith.constant 1 : i32
      scf.for %while3A_72 = %while3A_69 to %while3A_65 step %while3A_71  : i32 {
        %mul3A_73 = arith.muli %while3A_72, %while3A : i32
        %add3A_74 = arith.addi %while3A_62, %mul3A_73 : i32
        %mul3A_75 = arith.constant 16 : i32
        %mul3A_76 = arith.muli %add3A_74, %mul3A_75 : i32
        %get3A = arith.index_cast %mul3A_76 : i32 to index
        %get3A_77 = tpu.vector_load %arg12[%get3A] {strides = array<i32>} : memref<2016xi32, #tpu.memory_space<vmem>>, vector<16xi32>,
        %get3A_78 = arith.index_cast %mul3A_76 : i32 to index
        %get3A_79 = tpu.vector_load %arg13[%get3A_78] {strides = array<i32>} : memref<2016xi32, #tpu.memory_space<vmem>>, vector<16xi32>,
        %dma_start3A = arith.constant 0 : i32
        %dma_start3A_80 = arith.constant 0 : i32
        %dma_start3A_81 = tpu.memref_slice %arg3[%dma_start3A, %dma_start3A_80] : memref<10000x128xf32, #tpu.memory_space<hbm>> -> memref<10000x128xf32, #tpu.memory_space<hbm>>
        tpu.enqueue_indirect_dma source(%dma_start3A_81 : memref<10000x128xf32, #tpu.memory_space<hbm>>) target(%arg14 : memref<16x128xf32, #tpu.memory_space<vmem>>) offsets(%get3A_77 : vector<16xi32>) semaphore(%arg16 : memref<!tpu.dma_semaphore, #tpu.memory_space<semaphore_mem>>)
        %dma_wait3A = arith.constant 0 : i32
        %dma_wait3A_82 = arith.constant 0 : i32
        %dma_wait3A_83 = tpu.memref_slice %arg3[%dma_wait3A, %dma_wait3A_82] : memref<10000x128xf32, #tpu.memory_space<hbm>> -> memref<10000x128xf32, #tpu.memory_space<hbm>>
        tpu.wait_indirect_dma semaphore(%arg16 : memref<!tpu.dma_semaphore, #tpu.memory_space<semaphore_mem>>) src(%dma_wait3A_83 : memref<10000x128xf32, #tpu.memory_space<hbm>>) dst(%arg14 : memref<16x128xf32, #tpu.memory_space<vmem>>)
        %gather3A = tpu.vector_load_idx %arg11[%get3A_77] : memref<10240xf32, #tpu.memory_space<vmem>>[vector<16xi32>], vector<16xf32>,
        %scan3A_84 = arith.constant 0 : i32
        %scan3A_85 = arith.constant 128 : i32
        %scan3A_86 = arith.addi %scan3A_84, %scan3A_85 : i32
        %scan3A_87 = arith.constant 1 : i32
        scf.for %scan3A_89 = %scan3A_84 to %scan3A_86 step %scan3A_87  : i32 {
          %mul3A_90 = arith.constant 1 : i32
          %mul3A_91 = arith.muli %scan3A_89, %mul3A_90 : i32
          %add3A_92 = arith.constant 0 : i32
          %add3A_93 = arith.addi %add3A_92, %mul3A_91 : i32
          %broadcast_in_dim3A_94 = vector.broadcast %add3A_93 : i32 to vector<16xi32>
          %gather3A_95 = tpu.vector_load_idx %arg14[%iota3A, %broadcast_in_dim3A_94] : memref<16x128xf32, #tpu.memory_space<vmem>>[vector<16xi32>, vector<16xi32>], vector<16xf32>,
          %mul3A_96 = arith.mulf %gather3A_95, %gather3A : vector<16xf32>
          tpu.vector_store_idx %arg14[%iota3A, %broadcast_in_dim3A_94], %mul3A_96 : memref<16x128xf32, #tpu.memory_space<vmem>>[vector<16xi32>, vector<16xi32>], vector<16xf32>,
        }
        %scan3A_88 = arith.constant 128 : i32
        "tpu.region"() ({
          %run_scoped3A = tpu.sem_alloc : memref<!tpu.dma_semaphore, #tpu.memory_space<semaphore_mem>>
          %dma_start3A_89 = arith.constant 0 : i32
          %dma_start3A_90 = arith.constant 0 : i32
          %dma_start3A_91 = tpu.memref_slice %arg15[%dma_start3A_89, %dma_start3A_90] : memref<10240x128xf32, #tpu.memory_space<vmem_shared>> -> memref<10240x128xf32, #tpu.memory_space<vmem_shared>>
          tpu.enqueue_indirect_dma source(%arg14 : memref<16x128xf32, #tpu.memory_space<vmem>>) target(%dma_start3A_91 : memref<10240x128xf32, #tpu.memory_space<vmem_shared>>) offsets(%get3A_79 : vector<16xi32>) semaphore(%run_scoped3A : memref<!tpu.dma_semaphore, #tpu.memory_space<semaphore_mem>>) {add = true}
          %dma_wait3A_92 = arith.constant 0 : i32
          %dma_wait3A_93 = arith.constant 0 : i32
          %dma_wait3A_94 = tpu.memref_slice %arg15[%dma_wait3A_92, %dma_wait3A_93] : memref<10240x128xf32, #tpu.memory_space<vmem_shared>> -> memref<10240x128xf32, #tpu.memory_space<vmem_shared>>
          tpu.wait_indirect_dma semaphore(%run_scoped3A : memref<!tpu.dma_semaphore, #tpu.memory_space<semaphore_mem>>) src(%arg14 : memref<16x128xf32, #tpu.memory_space<vmem>>) dst(%dma_wait3A_94 : memref<10240x128xf32, #tpu.memory_space<vmem_shared>>)
          tpu.yield
        }) : () -> ()
      }
    } else {
    }
    %barrier3A_16 = arith.constant 0 : index
    tpu.barrier barrier_id(%barrier3A_16)
    %mul3A_17 = arith.constant 640 : i32
    %mul3A_18 = arith.muli %arg1, %mul3A_17 : i32
    %mul3A_19 = arith.constant 640 : i32
    %mul3A_20 = arith.muli %arg1, %mul3A_19 : i32
    "tpu.region"() ({
      %run_scoped3A = tpu.sem_alloc : memref<!tpu.dma_semaphore, #tpu.memory_space<semaphore_mem>>
      %dma_start3A = arith.constant 0 : i32
      %dma_start3A_21 = tpu.memref_slice %arg7[%arg0, %mul3A_20, %dma_start3A] : memref<2x10240x128xf32, #tpu.memory_space<hbm>> -> memref<1x640x128xf32, #tpu.memory_space<hbm>>
      %dma_start3A_22 = tpu.memref_squeeze %dma_start3A_21 : memref<1x640x128xf32, #tpu.memory_space<hbm>> -> memref<640x128xf32, #tpu.memory_space<hbm>>
      %dma_start3A_23 = arith.constant 0 : i32
      %dma_start3A_24 = tpu.memref_slice %arg15[%mul3A_18, %dma_start3A_23] : memref<10240x128xf32, #tpu.memory_space<vmem_shared>> -> memref<640x128xf32, #tpu.memory_space<vmem_shared>>
      tpu.enqueue_dma source(%dma_start3A_24 : memref<640x128xf32, #tpu.memory_space<vmem_shared>>) target(%dma_start3A_22 : memref<640x128xf32, #tpu.memory_space<hbm>>) target_semaphore(%run_scoped3A : memref<!tpu.dma_semaphore, #tpu.memory_space<semaphore_mem>>)
      %dma_wait3A = arith.constant 0 : i32
      %dma_wait3A_25 = tpu.memref_slice %arg7[%arg0, %mul3A_20, %dma_wait3A] : memref<2x10240x128xf32, #tpu.memory_space<hbm>> -> memref<1x640x128xf32, #tpu.memory_space<hbm>>
      %dma_wait3A_26 = tpu.memref_squeeze %dma_wait3A_25 : memref<1x640x128xf32, #tpu.memory_space<hbm>> -> memref<640x128xf32, #tpu.memory_space<hbm>>
      %dma_wait3A_27 = arith.constant 0 : i32
      %dma_wait3A_28 = tpu.memref_slice %arg15[%mul3A_18, %dma_wait3A_27] : memref<10240x128xf32, #tpu.memory_space<vmem_shared>> -> memref<640x128xf32, #tpu.memory_space<vmem_shared>>
      tpu.wait_dma2 semaphore(%run_scoped3A : memref<!tpu.dma_semaphore, #tpu.memory_space<semaphore_mem>>) src(%dma_wait3A_28 : memref<640x128xf32, #tpu.memory_space<vmem_shared>>) dst(%dma_wait3A_26 : memref<640x128xf32, #tpu.memory_space<hbm>>)
      tpu.yield
    }) : () -> ()
    return
  }
}

module attributes {stable_mosaic.version = 14 : i64} {
  func.func @_norm_body(%arg0: memref<32x80x128xi32, #tpu.memory_space<vmem>>, %arg1: memref<32x80x128xi32, #tpu.memory_space<vmem>>, %arg2: memref<32x80x128xi32, #tpu.memory_space<vmem>>, %arg3: memref<80x128xi32, #tpu.memory_space<vmem>>, %arg4: memref<80x128xf32, #tpu.memory_space<vmem>>, %arg5: memref<80x128xf32, #tpu.memory_space<vmem>>, %arg6: memref<80x128xf32, #tpu.memory_space<vmem>>) attributes {dimension_semantics = [], scalar_prefetch = 0 : i64, scratch_operands = 0 : i64, tpu.core_type = #tpu.core_type<tc>} {
    %get3A = arith.constant 0 : index
    %get3A_0 = arith.constant 0 : index
    %get3A_1 = arith.constant 0 : index
    %get3A_2 = vector.load %arg0[%get3A, %get3A_0, %get3A_1] : memref<32x80x128xi32, #tpu.memory_space<vmem>>, vector<32x80x128xi32>
    %reduce_sum3A = arith.constant dense<0> : vector<80x128xi32>
    %reduce_sum3A_3 = vector.multi_reduction <add>, %get3A_2, %reduce_sum3A [0] : vector<32x80x128xi32> to vector<80x128xi32>
    %get3A_4 = arith.constant 0 : index
    %get3A_5 = arith.constant 0 : index
    %get3A_6 = arith.constant 0 : index
    %get3A_7 = vector.load %arg1[%get3A_4, %get3A_5, %get3A_6] : memref<32x80x128xi32, #tpu.memory_space<vmem>>, vector<32x80x128xi32>
    %reduce_sum3A_8 = arith.constant dense<0> : vector<80x128xi32>
    %reduce_sum3A_9 = vector.multi_reduction <add>, %get3A_7, %reduce_sum3A_8 [0] : vector<32x80x128xi32> to vector<80x128xi32>
    %get3A_10 = arith.constant 0 : index
    %get3A_11 = arith.constant 0 : index
    %get3A_12 = arith.constant 0 : index
    %get3A_13 = vector.load %arg2[%get3A_10, %get3A_11, %get3A_12] : memref<32x80x128xi32, #tpu.memory_space<vmem>>, vector<32x80x128xi32>
    %reduce_sum3A_14 = arith.constant dense<0> : vector<80x128xi32>
    %reduce_sum3A_15 = vector.multi_reduction <add>, %get3A_13, %reduce_sum3A_14 [0] : vector<32x80x128xi32> to vector<80x128xi32>
    %iota3A = tpu.iota {dimensions = array<i32: 0>} : vector<80x128xi32>
    %iota3A_16 = tpu.iota {dimensions = array<i32: 1>} : vector<80x128xi32>
    %mul3A = arith.constant 128 : i32
    %mul3A_17 = vector.broadcast %mul3A : i32 to vector<80x128xi32>
    %mul3A_18 = arith.muli %iota3A, %mul3A_17 : vector<80x128xi32>
    %add3A = arith.addi %mul3A_18, %iota3A_16 : vector<80x128xi32>
    %eq3A = arith.constant 0 : i32
    %eq3A_19 = vector.broadcast %eq3A : i32 to vector<80x128xi32>
    %eq3A_20 = arith.cmpi eq, %add3A, %eq3A_19 : vector<80x128xi32>
    %add3A_21 = arith.constant 1 : i32
    %add3A_22 = vector.broadcast %add3A_21 : i32 to vector<80x128xi32>
    %add3A_23 = arith.addi %reduce_sum3A_3, %add3A_22 : vector<80x128xi32>
    %convert_element_type3A = arith.sitofp %add3A_23 : vector<80x128xi32> to vector<80x128xf32>
    %rsqrt3A = math.rsqrt %convert_element_type3A : vector<80x128xf32>
    %add3A_24 = arith.constant 1 : i32
    %add3A_25 = vector.broadcast %add3A_24 : i32 to vector<80x128xi32>
    %add3A_26 = arith.addi %reduce_sum3A_9, %add3A_25 : vector<80x128xi32>
    %convert_element_type3A_27 = arith.sitofp %add3A_26 : vector<80x128xi32> to vector<80x128xf32>
    %rsqrt3A_28 = math.rsqrt %convert_element_type3A_27 : vector<80x128xf32>
    %gt3A = arith.constant 0 : i32
    %gt3A_29 = vector.broadcast %gt3A : i32 to vector<80x128xi32>
    %gt3A_30 = arith.cmpi sgt, %reduce_sum3A_15, %gt3A_29 : vector<80x128xi32>
    %or3A = arith.ori %gt3A_30, %eq3A_20 : vector<80x128xi1>
    %convert_element_type3A_31 = arith.extui %or3A : vector<80x128xi1> to vector<80x128xi32>
    %swap3A = arith.constant 0 : index
    %swap3A_32 = arith.constant 0 : index
    %swap3A_33 = vector.load %arg3[%swap3A, %swap3A_32] : memref<80x128xi32, #tpu.memory_space<vmem>>, vector<80x128xi32>
    tpu.vector_store %arg3[%swap3A, %swap3A_32], %convert_element_type3A_31 {strides = array<i32>} : memref<80x128xi32, #tpu.memory_space<vmem>>, vector<80x128xi32>,
    %swap3A_34 = arith.constant 0 : index
    %swap3A_35 = arith.constant 0 : index
    %swap3A_36 = vector.load %arg4[%swap3A_34, %swap3A_35] : memref<80x128xf32, #tpu.memory_space<vmem>>, vector<80x128xf32>
    tpu.vector_store %arg4[%swap3A_34, %swap3A_35], %rsqrt3A {strides = array<i32>} : memref<80x128xf32, #tpu.memory_space<vmem>>, vector<80x128xf32>,
    %swap3A_37 = arith.constant 0 : index
    %swap3A_38 = arith.constant 0 : index
    %swap3A_39 = vector.load %arg5[%swap3A_37, %swap3A_38] : memref<80x128xf32, #tpu.memory_space<vmem>>, vector<80x128xf32>
    tpu.vector_store %arg5[%swap3A_37, %swap3A_38], %rsqrt3A_28 {strides = array<i32>} : memref<80x128xf32, #tpu.memory_space<vmem>>, vector<80x128xf32>,
    %convert_element_type3A_40 = arith.sitofp %reduce_sum3A_15 : vector<80x128xi32> to vector<80x128xf32>
    %convert_element_type3A_41 = arith.extui %eq3A_20 : vector<80x128xi1> to vector<80x128xi32>
    %convert_element_type3A_42 = arith.sitofp %convert_element_type3A_41 : vector<80x128xi32> to vector<80x128xf32>
    %add3A_43 = arith.addf %convert_element_type3A_40, %convert_element_type3A_42 : vector<80x128xf32>
    %mul3A_44 = arith.mulf %add3A_43, %rsqrt3A : vector<80x128xf32>
    %slice3A = vector.extract_strided_slice %rsqrt3A_28 {offsets = [0, 0], sizes = [1, 1], strides = [1, 1]} : vector<80x128xf32> to vector<1x1xf32>
    %mul3A_45 = vector.broadcast %slice3A : vector<1x1xf32> to vector<80x128xf32>
    %mul3A_46 = arith.mulf %mul3A_44, %mul3A_45 : vector<80x128xf32>
    %swap3A_47 = arith.constant 0 : index
    %swap3A_48 = arith.constant 0 : index
    %swap3A_49 = vector.load %arg6[%swap3A_47, %swap3A_48] : memref<80x128xf32, #tpu.memory_space<vmem>>, vector<80x128xf32>
    tpu.vector_store %arg6[%swap3A_47, %swap3A_48], %mul3A_46 {strides = array<i32>} : memref<80x128xf32, #tpu.memory_space<vmem>>, vector<80x128xf32>,
    return
  }
}

module attributes {stable_mosaic.version = 14 : i64} {
  func.func @_final_body(%arg0: memref<2x10240x128xf32, #tpu.memory_space<vmem>>, %arg1: memref<10240x1xf32, #tpu.memory_space<vmem>>, %arg2: memref<10240x1xi32, #tpu.memory_space<vmem>>, %arg3: memref<1x10240xf32, #tpu.memory_space<vmem>>, %arg4: memref<128x128xf32, #tpu.memory_space<vmem>>, %arg5: memref<1x128xf32, #tpu.memory_space<vmem>>, %arg6: memref<128x128xf32, #tpu.memory_space<vmem>>, %arg7: memref<1x128xf32, #tpu.memory_space<vmem>>, %arg8: memref<1x256xf32, #tpu.memory_space<vmem>>) attributes {dimension_semantics = [], scalar_prefetch = 0 : i64, scratch_operands = 0 : i64, tpu.core_type = #tpu.core_type<tc>} {
    %get3A = arith.constant 0 : index
    %get3A_0 = arith.constant 0 : index
    %get3A_1 = arith.constant 0 : index
    %get3A_2 = vector.load %arg0[%get3A, %get3A_0, %get3A_1] : memref<2x10240x128xf32, #tpu.memory_space<vmem>>, vector<1x10240x128xf32>
    %get3A_3 = vector.shape_cast %get3A_2 : vector<1x10240x128xf32> to vector<10240x128xf32>
    %get3A_4 = arith.constant 1 : index
    %get3A_5 = arith.constant 0 : index
    %get3A_6 = arith.constant 0 : index
    %get3A_7 = vector.load %arg0[%get3A_4, %get3A_5, %get3A_6] : memref<2x10240x128xf32, #tpu.memory_space<vmem>>, vector<1x10240x128xf32>
    %get3A_8 = vector.shape_cast %get3A_7 : vector<1x10240x128xf32> to vector<10240x128xf32>
    %add3A = arith.addf %get3A_3, %get3A_8 : vector<10240x128xf32>
    %get3A_9 = arith.constant 0 : index
    %get3A_10 = arith.constant 0 : index
    %get3A_11 = vector.load %arg1[%get3A_9, %get3A_10] : memref<10240x1xf32, #tpu.memory_space<vmem>>, vector<10240x1xf32>
    %mul3A = vector.broadcast %get3A_11 : vector<10240x1xf32> to vector<10240x128xf32>
    %mul3A_12 = arith.mulf %add3A, %mul3A : vector<10240x128xf32>
    %get3A_13 = arith.constant 0 : index
    %get3A_14 = arith.constant 0 : index
    %get3A_15 = vector.load %arg4[%get3A_13, %get3A_14] : memref<128x128xf32, #tpu.memory_space<vmem>>, vector<128x128xf32>
    %dot_general3A = arith.constant dense<0.000000e+00> : vector<10240x128xf32>
    %dot_general3A_16 = tpu.matmul %mul3A_12, %get3A_15, %dot_general3A {dimension_numbers = #tpu.dot_dimension_numbers<[1], [0], [0], [1], [0, 0, 1, 1], [], []>, precision = #tpu.contract_precision<fp32>, transpose_lhs_hint = false} : vector<10240x128xf32>, vector<128x128xf32>, vector<10240x128xf32> -> vector<10240x128xf32>
    %get3A_17 = arith.constant 0 : index
    %get3A_18 = arith.constant 0 : index
    %get3A_19 = vector.load %arg5[%get3A_17, %get3A_18] : memref<1x128xf32, #tpu.memory_space<vmem>>, vector<1x128xf32>
    %add3A_20 = vector.broadcast %get3A_19 : vector<1x128xf32> to vector<10240x128xf32>
    %add3A_21 = arith.addf %dot_general3A_16, %add3A_20 : vector<10240x128xf32>
    %max3A = arith.constant 0.000000e+00 : f32
    %max3A_22 = vector.broadcast %max3A : f32 to vector<10240x128xf32>
    %max3A_23 = arith.maximumf %add3A_21, %max3A_22 : vector<10240x128xf32>
    %get3A_24 = arith.constant 0 : index
    %get3A_25 = arith.constant 0 : index
    %get3A_26 = vector.load %arg2[%get3A_24, %get3A_25] : memref<10240x1xi32, #tpu.memory_space<vmem>>, vector<10240x1xi32>
    %ne3A = arith.constant 0 : i32
    %ne3A_27 = vector.broadcast %ne3A : i32 to vector<10240x1xi32>
    %ne3A_28 = arith.cmpi ne, %get3A_26, %ne3A_27 : vector<10240x1xi32>
    %jit3A = arith.constant 0.000000e+00 : f32
    %broadcast_in_dim3A = vector.shape_cast %ne3A_28 : vector<10240x1xi1> to vector<10240x1xi1>
    %broadcast_in_dim3A_29 = vector.broadcast %broadcast_in_dim3A : vector<10240x1xi1> to vector<10240x128xi1>
    %broadcast_in_dim3A_30 = vector.broadcast %jit3A : f32 to vector<10240x128xf32>
    %select_n3A = arith.select %broadcast_in_dim3A_29, %max3A_23, %broadcast_in_dim3A_30 : vector<10240x128xi1>, vector<10240x128xf32>
    %get3A_31 = arith.constant 0 : index
    %get3A_32 = arith.constant 0 : index
    %get3A_33 = vector.load %arg3[%get3A_31, %get3A_32] : memref<1x10240xf32, #tpu.memory_space<vmem>>, vector<1x10240xf32>
    %dot_general3A_34 = arith.constant dense<0.000000e+00> : vector<1x128xf32>
    %dot_general3A_35 = tpu.matmul %get3A_33, %select_n3A, %dot_general3A_34 {dimension_numbers = #tpu.dot_dimension_numbers<[1], [0], [0], [1], [0, 0, 1, 1], [], []>, precision = #tpu.contract_precision<fp32>, transpose_lhs_hint = false} : vector<1x10240xf32>, vector<10240x128xf32>, vector<1x128xf32> -> vector<1x128xf32>
    %get3A_36 = arith.constant 0 : index
    %get3A_37 = arith.constant 0 : index
    %get3A_38 = vector.load %arg6[%get3A_36, %get3A_37] : memref<128x128xf32, #tpu.memory_space<vmem>>, vector<128x128xf32>
    %dot_general3A_39 = arith.constant dense<0.000000e+00> : vector<1x128xf32>
    %dot_general3A_40 = tpu.matmul %dot_general3A_35, %get3A_38, %dot_general3A_39 {dimension_numbers = #tpu.dot_dimension_numbers<[1], [0], [0], [1], [0, 0, 1, 1], [], []>, precision = #tpu.contract_precision<fp32>, transpose_lhs_hint = false} : vector<1x128xf32>, vector<128x128xf32>, vector<1x128xf32> -> vector<1x128xf32>
    %get3A_41 = arith.constant 0 : index
    %get3A_42 = arith.constant 0 : index
    %get3A_43 = vector.load %arg7[%get3A_41, %get3A_42] : memref<1x128xf32, #tpu.memory_space<vmem>>, vector<1x128xf32>
    %add3A_44 = arith.addf %dot_general3A_40, %get3A_43 : vector<1x128xf32>
    %max3A_45 = arith.constant 0.000000e+00 : f32
    %max3A_46 = vector.broadcast %max3A_45 : f32 to vector<1x128xf32>
    %max3A_47 = arith.maximumf %add3A_44, %max3A_46 : vector<1x128xf32>
    %concatenate3A = tpu.concatenate %max3A_47, %max3A_47 in 1 : vector<1x128xf32>, vector<1x128xf32> -> vector<1x256xf32>
    %swap3A = arith.constant 0 : index
    %swap3A_48 = arith.constant 0 : index
    %swap3A_49 = vector.load %arg8[%swap3A, %swap3A_48] : memref<1x256xf32, #tpu.memory_space<vmem>>, vector<1x256xf32>
    tpu.vector_store %arg8[%swap3A, %swap3A_48], %concatenate3A {strides = array<i32>} : memref<1x256xf32, #tpu.memory_space<vmem>>, vector<1x256xf32>,
    return
  }
}

</mosaic_0001>

<sc_bundles>
// kernel: kernel.6.cloned.1.call-start
scs
__scs_entry_jumppad:
0x0: {  	(pc) =	sbr.rel $0x88, $3  }
0x1: {  	(tag) =	ssettag $0x0;
	lr =	simm.s32 $0x1  }
0x2: {  	[smem:$0x3F9B] =	sst lr;
	_ =	strace $0xD0000000  }
0x3: {  	_ = 	snop  }
0x4: {  	_ = 	snop  }
0x5: {  	_ = 	snop  }
0x6: {  	_ = 	snop  }
0x7: {  	_ = 	snop  }
__scs_overlays_trampoline_lowered:
0x8: {  	[smem:$0x3FAA] =	sst s0  }
0x9: {  	[smem:$0x3FAB] =	sst s1  }
0xa: {  	[smem:$0x3FAC] =	sst s2  }
0xb: {  	[smem:$0x3FAD] =	sst s3  }
0xc: {  	[smem:$0x3FAE] =	sst s4  }
0xd: {  	[smem:$0x3FAF] =	sst s5  }
0xe: {  	[smem:$0x3FB0] =	sst s6  }
0xf: {  	[smem:$0x3FB1] =	sst s7  }
0x10: {  	[smem:$0x3FB2] =	sst s8  }
0x11: {  	[smem:$0x3FB3] =	sst s9;
	s0 =	simm.s32 @!p0 $0x0  }
0x12: {  	s1 =	sld [smem:$0x3F99];
	s0 =	simm.s32 @p0 $0x1  }
0x13: {  	[smem:$0x3FB4] =	sst s0;
	s0 =	simm.s32 @!p1 $0x0  }
0x14: {  	s2 =	sld [smem:$0x3F98];
	s0 =	simm.s32 @p1 $0x1  }
0x15: {  	[smem:$0x3FB5] =	sst s0;
	s0 =	simm.s32 @!p2 $0x0  }
0x16: {  	s3 =	sld [smem:$0x3FDB];
	s0 =	simm.s32 @p2 $0x1  }
0x17: {  	s4 =	simm.s32 $0x1BF5;
	[smem:$0x3FB7] =	sst s0  }
0x18: {  	s0 =	sld [smem:$0x3F9A];
	_ =	swait.ge [sflag:s4], $0x0  }
0x19: {  	s7 =	sld [smem:$0x3F9B]  }
0x1a: {  	s8 =	sadd.s32 $0xFFFFE003, lr  }
0x1b: {  	s9 =	sadd.s32 $0xFFFFFEF7, lr;
	s5 =	simm.s32 $0xFFFFFFFF;
	p2 =	slt.u32 s8, $0xFFFFF086  }
0x1c: {  	p1 =	slt.u32 s9, $0xF7A;
	s5 =	simm.s32 @!p2 $0x0  }
0x1d: {  	s5 =	simm.s32 @p1 $0x1;
	p0 =	seq.s32 s7, s2  }
0x1e: {  	s7 =	smul.u32 @!p0 $0xF7A, s2;
	p2 =	seq.s32 @!p0 s5, $0x0  }
0x1f: {  	s9 =	smul.u32 $0xF7A, s1;
	s8 =	simm.s32 @!p0 $0x1BF5;
	p2 =	por !p2, p0  }
0x20: {  	[sflag:s8] =	ssyncset.s32 @!p0 $0xFFFFF086;
	s6 =	sadd.s32 @!p0 s3, s7;
	s7 =	simm.s32 @!p0 $0x108  }
0x21: {  	s3 =	sadd.s32 s3, s9;
	s6 =	sadd.s32 @!p0 $0x88, s6;
	s7 =	simm.s32 @p2 $0x1082  }
0x22: {  	[simem:s7], [sflag:s8] =	dma.local @!p0 [hbm:s6], $0xF7A  }
0x23: {  	s9 =	sor.u32 $0xD0000000, s2;
	s6 =	simm.s32 $0x108;
	_ =	swait.ge @!p0 [sflag:s8], $0x0  }
0x24: {  	s3 =	sadd.s32 $0x88, s3;
	s6 =	simm.s32 @!p1 $0x1082;
	[sflag:s4] =	ssyncset.s32 $0xFFFFF086  }
0x25: {  	[simem:s6], [sflag:s4] =	dma.local [hbm:s3], $0xF7A  }
0x26: {  	[smem:$0x3F9B] =	sst s1;
	(tag) =	ssettag s2;
	_ =	strace s9  }
0x27: {  	s1 =	sld [smem:$0x3FAB]  }
0x28: {  	s2 =	sld [smem:$0x3FAC]  }
0x29: {  	s4 =	sld [smem:$0x3FAE]  }
0x2a: {  	p0 =	seq.s32 s5, $0x0;
	s5 =	sld [smem:$0x3FAF]  }
0x2b: {  	s6 =	sld [smem:$0x3FB0]  }
0x2c: {  	s7 =	sld [smem:$0x3FB1]  }
0x2d: {  	s3 =	simm.s32 $0x108;
	s8 =	sld [smem:$0x3FB2]  }
0x2e: {  	s3 =	simm.s32 @!p0 $0x1082;
	s9 =	sld [smem:$0x3FB3]  }
0x2f: {  	lr =	sadd.s32 s0, s3;
	s0 =	sld [smem:$0x3FAA]  }
0x30: {  	s3 =	sld [smem:$0x3FAD]  }
0x31: {  	[smem:$0x3FB6] =	sst s10  }
0x32: {  	s10 =	sld [smem:$0x3FB4];
	_ =	sdelay $0x3  }
0x33: {  	p0 =	seq.s32 s10, $0x1;
	s10 =	sld [smem:$0x3FB6];
	_ =	sdelay $0x3  }
0x34: {  	[smem:$0x3FB6] =	sst s10  }
0x35: {  	s10 =	sld [smem:$0x3FB5];
	_ =	sdelay $0x3  }
0x36: {  	p1 =	seq.s32 s10, $0x1;
	s10 =	sld [smem:$0x3FB6];
	_ =	sdelay $0x3  }
0x37: {  	[smem:$0x3FB6] =	sst s10  }
0x38: {  	s10 =	sld [smem:$0x3FB7]  }
0x39: {  	_ = 	snop;
	(pc) =	sbr.ind lr, $3  }
0x3a: {  	_ = 	snop  }
0x3b: {  	_ = 	snop  }
0x3c: {  	p2 =	seq.s32 s10, $0x1;
	s10 =	sld [smem:$0x3FB6]  }
0x3d: {  	_ =	shalt  }
0x3e: {  	_ =	shalt  }
0x3f: {  	_ =	shalt  }
0x40: {  	_ =	shalt  }
0x41: {  	_ =	shalt  }
0x42: {  	_ =	shalt  }
0x43: {  	_ =	shalt  }
0x44: {  	_ =	shalt  }
0x45: {  	_ =	shalt  }
0x46: {  	_ =	shalt  }
0x47: {  	_ =	shalt  }
0x48: {  	_ =	shalt  }
0x49: {  	_ =	shalt  }
0x4a: {  	_ =	shalt  }
0x4b: {  	_ =	shalt  }
0x4c: {  	_ =	shalt  }
0x4d: {  	_ =	shalt  }
0x4e: {  	_ =	shalt  }
0x4f: {  	_ =	shalt  }
0x50: {  	_ =	shalt  }
0x51: {  	_ =	shalt  }
0x52: {  	_ =	shalt  }
0x53: {  	_ =	shalt  }
0x54: {  	_ =	shalt  }
0x55: {  	_ =	shalt  }
0x56: {  	_ =	shalt  }
0x57: {  	_ =	shalt  }
0x58: {  	_ =	shalt  }
0x59: {  	_ =	shalt  }
0x5a: {  	_ =	shalt  }
0x5b: {  	_ =	shalt  }
0x5c: {  	_ =	shalt  }
0x5d: {  	_ =	shalt  }
0x5e: {  	_ =	shalt  }
0x5f: {  	_ =	shalt  }
0x60: {  	_ =	shalt  }
0x61: {  	_ =	shalt  }
0x62: {  	_ =	shalt  }
0x63: {  	_ =	shalt  }
0x64: {  	_ =	shalt  }
0x65: {  	_ =	shalt  }
0x66: {  	_ =	shalt  }
0x67: {  	_ =	shalt  }
0x68: {  	_ =	shalt  }
0x69: {  	_ =	shalt  }
0x6a: {  	_ =	shalt  }
0x6b: {  	_ =	shalt  }
0x6c: {  	_ =	shalt  }
0x6d: {  	_ =	shalt  }
0x6e: {  	_ =	shalt  }
0x6f: {  	_ =	shalt  }
0x70: {  	_ =	shalt  }
0x71: {  	_ =	shalt  }
0x72: {  	_ =	shalt  }
0x73: {  	_ =	shalt  }
0x74: {  	_ =	shalt  }
0x75: {  	_ =	shalt  }
0x76: {  	_ =	shalt  }
0x77: {  	_ =	shalt  }
0x78: {  	_ =	shalt  }
0x79: {  	_ =	shalt  }
0x7a: {  	_ =	shalt  }
0x7b: {  	_ =	shalt  }
0x7c: {  	_ =	shalt  }
0x7d: {  	_ =	shalt  }
0x7e: {  	_ =	shalt  }
0x7f: {  	_ =	shalt  }
0x80: {  	_ =	shalt  }
0x81: {  	_ =	shalt  }
0x82: {  	_ =	shalt  }
0x83: {  	_ =	shalt  }
0x84: {  	_ =	shalt  }
0x85: {  	_ =	shalt  }
0x86: {  	_ =	shalt  }
0x87: {  	_ =	shalt  }
.Lfunc_end0:
.L_simem_size_0:
called_computation_lowered:
.L_overlay_start_0:
0x88: {  	s2 =	sld [smem:$0x3FD9]  }
0x89: {  	s3 =	sld [smem:$0x3FFE];
	_ =	sdelay $0x1  }
0x8a: {  	s1 =	srdreg.scid  }
0x8b: {  	s0 =	sand.u32 $0x1, s1  }
0x8c: {  	s16 =	sshll.u32 s0, $0xA;
	s2 =	sadd.s32 s3, s2  }
0x8d: {  	s2 =	sadd.s32 s2, s16  }
0x8e: {  	[smem:$0x3FC2] =	sst s2  }
0x8f: {  	_ = 	snop  }
0x90: {  	(tm) =	ssettm $0x1  }
0x91: {  	s17 =	sld [smem:$0x3FFB];
	_ =	sdelay $0x3  }
0x92: {  	_ =	strace s17  }
0x93: {  	s2 =	sld [smem:$0x3FFC];
	_ =	sdelay $0x3  }
0x94: {  	_ =	strace s2  }
0x95: {  	s2 =	sld [smem:$0x3FFD];
	_ =	sdelay $0x3  }
0x96: {  	_ =	strace s2  }
0x97: {  	_ =	strace $0x8FFFFFFF  }
0x98: {  	s18 =	sld [smem:$0x3FDB];
	_ =	sdelay $0x1  }
0x99: {  	s19 =	simm.s32 $_scs_section_size  }
0x9a: {  	s4 =	simm.s32 $_size__tile_overlayer_lowered;
	s5 =	simm.s32 $_tile_overlayer_lowered  }
0x9b: {  	s22 =	simm.s32 $0x1BFF;
	s21 =	sshll.u32 s5, $0x1;
	s2 =	sadd.s32 s19, s18  }
0x9c: {  	s6 =	simm.s32 $0x0;
	s20 =	sshll.u32 s4, $0x1;
	s4 =	sadd.s32 s21, s2  }
0x9d: {  	[timem:s6], [sflag:s22] =	dma.local [hbm:s4], s20  }
0x9e: {  	_ =	swait.ge [sflag:s22], s20  }
0x9f: {  	s3 =	ssub.s32 $0x0, s20;
	[sflag:s22] =	ssyncset.done $0x0  }
0xa0: {  	[sflag:s22] =	ssyncadd.s32 s3;
	_ =	sdelay $0x1  }
0xa1: {  	s23 =	simm.s32 $0x1B8B  }
0xa2: {  	_ =	swait.ge [sflag:s23], $0x1  }
0xa3: {  	[sflag:s23] =	ssyncset.done $0x0  }
0xa4: {  	s25 =	simm.s32 $0x1B8E;
	s24 =	sld [smem:$0x3FFE];
	[sflag:s23] =	ssyncadd.s32 $0xFFFFFFFF  }
0xa5: {  	s26 =	simm.s32 $execute0_lowered;
	[smem:$0x3FD2] =	sst s25  }
0xa6: {  	s4 =	sshll.u32 s26, $0x1;
	_ =	strace $0x80000046;
	[dreg:$0x1] =	wrdreg $0xFFFFFFFF  }
0xa7: {  	s28 =	simm.s32 $_size_execute0_lowered;
	s2 =	sadd.s32 s2, s4;
	[dreg:$0x0] =	wrdreg $0x0  }
0xa8: {  	s4 =	sshll.u32 s28, $0x1;
	[dreg:$0x2] =	wrdreg s2  }
0xa9: {  	[dreg:$0x3] =	wrdreg s4  }
0xaa: {  	[dreg:$0x4] =	wrdreg $0xC0  }
0xab: {  	_ =	task [dreg:s6], $0x5FFFF  }
0xac: {  	[dreg:$0x1] =	wrdreg $0xFFFFFFFF  }
0xad: {  	[dreg:$0x0] =	wrdreg $0x60  }
0xae: {  	[dreg:$0x2] =	wrdreg s24  }
0xaf: {  	[dreg:$0x3] =	wrdreg $0x9  }
0xb0: {  	_ =	task.clear_ibuf [dreg:s6], $0x4FFFF;
	_ =	strace $0x90000046  }
0xb1: {  	s29 =	simm.s32 $0x9;
	_ =	strace $0x80000048  }
0xb2: {  	_ =	swait.ge [sflag:s29], $0x1  }
0xb3: {  	[sflag:s29] =	ssyncadd.s32 $0xFFFFFFFF  }
0xb4: {  	_ =	strace $0x90000048  }
0xb5: {  	_ =	sfence  }
0xb6: {  	s30 =	sld [smem:$0x0];
	_ =	sdelay $0x2  }
0xb7: {  	s31 =	sshll.u32 s1, $0xD;
	s1 =	sshrl.u32 s1, $0x2  }
0xb8: {  	s3 =	sand.u32 $0x4000, s31;
	s1 =	sadd.s32 s1, s30  }
0xb9: {  	s0 =	sor.u32 s3, s0;
	s1 =	sshll.u32 s1, $0x11  }
0xba: {  	s0 =	sor.u32 s1, s0  }
0xbb: {  	s0 =	sadd.s32 $0x8F2B, s0  }
0xbc: {  	[sflag:s0] =	ssyncadd.remote.s32 $0x1  }
0xbd: {  	_ =	sfence.sel $0xFFFF  }
0xbe: {  	[dreg:$0x0] =	wrdreg $0xFFFFFFFF;
	(pc) =	sbr.abs _section_cstart, $3  }
0xbf: {  	[dreg:$0x1] =	wrdreg $0xFFFFFFFF  }
0xc0: {  	_ =	task.clear_ibuf [dreg:s6], $0x2FFFF;
	_ =	strace $0x9FFFFFFF  }
0xc1: {  	(tm) =	ssettm $0x7FFFFFFF  }
tec
execute0_lowered:
.L_overlay_start_1:
0x0: {  	(tag) =	ssettag $0x1  }
0x1: {  	s0 =	srdreg.scid  }
0x2: {  	s4 =	rddreg [dreg:$0x0];
	s2 =	simm.s32 $0x0;
	s3 =	sand.u32 $0x1, s0  }
0x3: {  	s10 =	simm.s32 $0x2780;
	s0 =	stileid.u32;
	s1 =	sshll.u32 s3, $0x4  }
0x4: {  	s11 =	simm.s32 $0x4F00;
	s12 =	simm.s32 $0x7700;
	s5 =	sor.u32 s0, s1  }
0x5: {  	s13 =	simm.s32 $0x9F00;
	s14 =	simm.s32 $0x2;
	s6 =	smul.u32 $0x2710, s5  }
0x6: {  	s15 =	simm.s32 $0x0;
	[smem:$0x7FF] =	sst s2;
	s5 =	smul.u32 $0x500, s5  }
0x7: {  	s3 =	ssub.s32 $0x2, s3;
	s1 =	rddreg [dreg:$0x1];
	_ =	strace $0x80000047  }
0x8: {  	s7 =	sshrl.u32 s3, $0x1;
	s6 =	sshrl.u32 s6, $0x3;
	s8 =	sadd.s32 s5, s4  }
0x9: {  	s9 =	ssub.s32 s3, s7;
	s6 =	sadd.s32 s6, s4;
	s5 =	sadd.s32 $0x15E00, s8  }
0xa: {  	s7 =	sadd.s32 $0x29E00, s8;
	s3 =	sadd.s32 $0x2400, s6;
	s4 =	sadd.s32 $0xC040, s6  }
0xb: {  	v0 =	vimm.s32 $0x0;
	s6 =	sadd.s32 $0x1FE00, s8;
	s8 =	smax.u32 s9, $0x1;
	s9 =	simm.s32 $0x1  }
.LBB2_1:
0xc: {  	[tilespmem:s2], [sflag:$0x1] =	stream.linear.gather [hbm4b:s3+s2], $0x2710, $0x38;
	[tilespmem:$0xC700] =	vst v63  }
0xd: {  	_ =	swait.ge [sflag:s9], $0x2710  }
0xe: {  	[sflag:s9] =	ssyncset.done $0x0  }
0xf: {  	[sflag:s9] =	ssyncadd.s32 $0xFFFFD8F0  }
0x10: {  	[tilespmem:s10], [sflag:$0x1] =	stream.linear.gather [hbm4b:s4+s2], $0x2710, $0x38;
	[tilespmem:$0xC700] =	vst v63  }
0x11: {  	_ =	swait.ge [sflag:s9], $0x2710  }
0x12: {  	[sflag:s9] =	ssyncset.done $0x0  }
0x13: {  	s16 =	simm.s32 $0x0;
	[sflag:s9] =	ssyncadd.s32 $0xFFFFD8F0  }
.LBB2_2:
0x14: {  	p0 =	sne.s32 s16, $0x9FC0  }
.Ltmp0:
0x15: {  	_ = 	snop;
	(pc) =	sbr.rel @p0 .LBB2_2-.Ltmp0, $4  }
0x16: {  	s17 =	sshra.s32 s16, $0x2  }
0x17: {  	[tilespmem:s17+$0x4F00] =	vst v0  }
0x18: {  	[tilespmem:s17+$0x7700] =	vst v0  }
0x19: {  	s16 =	sadd.s32 $0x40, s16;
	[tilespmem:s17+$0x9F00] =	vst v0  }
0x1a: {  	s16 =	simm.s32 $0x0  }
0x1b: {  	v1 =	vld [tilespmem:s16+$0x0];
	_ =	sdelay $0x3  }
0x1c: {  	v3 =	vld [tilespmem:s16+$0x2780]  }
0x1d: {  	(xrf1) =	vunique.msk.u32 $0xffff, v1;
	_ =	sdelay $0x3  }
0x1e: {  	(xrf1) =	vunique.msk.u32 $0xffff, v3  }
0x1f: {  	vm0 =	veq.s32 v3, $0x0  }
0x20: {  	(xrf1) =	vunique.msk.u32 vm0, v1;
	_ =	sdelay $0x7  }
0x21: {  	_, v2, vm0 =	vpop (xrf1);
	_ =	sdelay $0x3  }
0x22: {  	_, v4, vm1 =	vpop (xrf1);
	_ =	sdelay $0x1  }
0x23: {  	[tilespmem:v1+s11+$0x0] =	vst.idx.add.s32.msk vm0, v2;
	_, v2, vm0 =	vpop (xrf1);
	_ =	sdelay $0x3  }
0x24: {  	s17 =	simm.s32 $0x80;
	s16 =	simm.s32 $0x40;
	[tilespmem:v3+s12+$0x0] =	vst.idx.add.s32.msk vm1, v4  }
.LBB2_4:
0x25: {  	p0 =	sne.s32 s17, $0x9C00  }
0x26: {  	s18 =	sshra.s32 s16, $0x2;
	[tilespmem:v1+s13+$0x0] =	vst.idx.add.s32.msk vm0, v2;
	s16 =	smov.u32 s17;
	s17 =	sadd.s32 $0x40, s17  }
0x27: {  	v1 =	vld [tilespmem:s18+$0x0]  }
0x28: {  	v3 =	vld [tilespmem:s18+$0x2780];
	_ =	sdelay $0x3  }
0x29: {  	(xrf1) =	vunique.msk.u32 $0xffff, v1  }
0x2a: {  	vm0 =	veq.s32 v3, $0x0;
	(xrf1) =	vunique.msk.u32 $0xffff, v3  }
0x2b: {  	(xrf1) =	vunique.msk.u32 vm0, v1;
	_ =	sdelay $0xb  }
0x2c: {  	_, v4, vm1 =	vpop (xrf1)  }
0x2d: {  	_, v5, vm2 =	vpop (xrf1)  }
0x2e: {  	_, v2, vm0 =	vpop (xrf1)  }
.Ltmp1:
0x2f: {  	(pc) =	sbr.rel @p0 .LBB2_4-.Ltmp1, $3  }
0x30: {  	_ =	sdelay $0x1  }
0x31: {  	[tilespmem:v1+s11+$0x0] =	vst.idx.add.s32.msk vm1, v4  }
0x32: {  	[tilespmem:v3+s12+$0x0] =	vst.idx.add.s32.msk vm2, v5  }
0x33: {  	_ =	sdelay $0x4  }
0x34: {  	s16 =	sshra.s32 s16, $0x2;
	[tilespmem:v1+s13+$0x0] =	vst.idx.add.s32.msk vm0, v2  }
0x35: {  	v1 =	vld [tilespmem:s16+$0x0]  }
0x36: {  	v2 =	vld [tilespmem:s16+$0x2780];
	_ =	sdelay $0x3  }
0x37: {  	(xrf1) =	vunique.msk.u32 $0xffff, v1  }
0x38: {  	vm14 =	veq.s32 v2, $0x0;
	(xrf1) =	vunique.msk.u32 $0xffff, v2  }
0x39: {  	(xrf1) =	vunique.msk.u32 vm14, v1;
	_ =	sdelay $0xb  }
0x3a: {  	_, v3, vm15 =	vpop (xrf1)  }
0x3b: {  	_, v4, vm1 =	vpop (xrf1)  }
0x3c: {  	_, v5, vm2 =	vpop (xrf1);
	_ =	sdelay $0x3  }
0x3d: {  	[tilespmem:v1+s11+$0x0] =	vst.idx.add.s32.msk vm15, v3  }
0x3e: {  	[tilespmem:v2+s12+$0x0] =	vst.idx.add.s32.msk vm1, v4  }
0x3f: {  	[tilespmem:v1+s13+$0x0] =	vst.idx.add.s32.msk vm2, v5  }
0x40: {  	[hbm4b:s5+s2] =	stream.linear.scatter [tilespmem:s11], [sflag:$0x2], $0x2800, $0x38;
	[tilespmem:$0xC700] =	vst v63  }
0x41: {  	_ =	swait.ge [sflag:s14], $0x2800  }
0x42: {  	[sflag:s14] =	ssyncset.done $0x0  }
0x43: {  	[sflag:s14] =	ssyncadd.s32 $0xFFFFD800  }
0x44: {  	[hbm4b:s6+s2] =	stream.linear.scatter [tilespmem:s12], [sflag:$0x2], $0x2800, $0x38;
	[tilespmem:$0xC700] =	vst v63  }
0x45: {  	s15 =	sadd.s32 $0x1, s15;
	_ =	swait.ge [sflag:s14], $0x2800  }
0x46: {  	p0 =	sne.s32 s15, s8;
	[sflag:s14] =	ssyncset.done $0x0  }
.Ltmp2:
0x47: {  	[sflag:s14] =	ssyncadd.s32 $0xFFFFD800;
	(pc) =	sbr.rel @p0 .LBB2_1-.Ltmp2, $4  }
0x48: {  	[hbm4b:s7+s2] =	stream.linear.scatter [tilespmem:s13], [sflag:$0x2], $0x2800, $0x38;
	[tilespmem:$0xC700] =	vst v63  }
0x49: {  	_ =	swait.ge [sflag:s14], $0x2800  }
0x4a: {  	[sflag:s14] =	ssyncset.done $0x0  }
0x4b: {  	[sflag:s14] =	ssyncadd.s32 $0xFFFFD800  }
0x4c: {  	_ =	sfence.sel $0x180000  }
0x4d: {  	[bflag:$0x0] =	sbarrier.arrive $0xFFFF  }
0x4e: {  	p0 =	sne.s32 s0, $0x0;
	_ =	strace $0x90000047  }
0x4f: {  	s0 =	sadd.s32 @!p0 $0x100000, s1;
	[bflag:$0x2] =	sbarrier.arrive $0xFFFF  }
0x50: {  	[sflag:s0] =	ssyncadd.tile.s32 @!p0 $0x1;
	_ =	shalt  }
.Lfunc_end2:
_tile_overlayer_lowered:
.L_overlay_start_2:
0x51: {  	(tag) =	ssettag $0x2  }
0x52: {  	s0 =	rddreg [dreg:$0x0];
	s2 =	stileid.u32  }
0x53: {  	s1 =	rddreg [dreg:$0x1];
	p0 =	sne.s32 s2, $0x0  }
0x54: {  	s3 =	rddreg [dreg:$0x2];
	[bflag:$0x3] =	sbarrier.arrive $0xFFFF;
	s2 =	simm.s32 @!p0 $0x1C02  }
0x55: {  	[timem:s3], [sflag:s2] =	dma.local @!p0 [hbm:s0], s1  }
0x56: {  	s0 =	simm.s32 @!p0 $0x2  }
0x57: {  	_ =	swait.ge @!p0 [sflag:s0], s1  }
0x58: {  	s1 =	ssub.s32 @!p0 $0x0, s1;
	[sflag:s0] =	ssyncset.done @!p0 $0x0  }
0x59: {  	[sflag:s0] =	ssyncadd.s32 @!p0 s1  }
0x5a: {  	[bflag:$0x3] =	sbarrier.arrive $0xFFFF  }
0x5b: {  	_ =	shalt  }

// kernel: kernel.9.cloned.1.call-start
scs
__scs_entry_jumppad:
0x0: {  	(pc) =	sbr.rel $0x88, $3  }
0x1: {  	(tag) =	ssettag $0x0;
	lr =	simm.s32 $0x1  }
0x2: {  	[smem:$0x3F9B] =	sst lr;
	_ =	strace $0xD0000000  }
0x3: {  	_ = 	snop  }
0x4: {  	_ = 	snop  }
0x5: {  	_ = 	snop  }
0x6: {  	_ = 	snop  }
0x7: {  	_ = 	snop  }
__scs_overlays_trampoline_lowered:
0x8: {  	[smem:$0x3FAA] =	sst s0  }
0x9: {  	[smem:$0x3FAB] =	sst s1  }
0xa: {  	[smem:$0x3FAC] =	sst s2  }
0xb: {  	[smem:$0x3FAD] =	sst s3  }
0xc: {  	[smem:$0x3FAE] =	sst s4  }
0xd: {  	[smem:$0x3FAF] =	sst s5  }
0xe: {  	[smem:$0x3FB0] =	sst s6  }
0xf: {  	[smem:$0x3FB1] =	sst s7  }
0x10: {  	[smem:$0x3FB2] =	sst s8  }
0x11: {  	[smem:$0x3FB3] =	sst s9;
	s0 =	simm.s32 @!p0 $0x0  }
0x12: {  	s1 =	sld [smem:$0x3F99];
	s0 =	simm.s32 @p0 $0x1  }
0x13: {  	[smem:$0x3FB4] =	sst s0;
	s0 =	simm.s32 @!p1 $0x0  }
0x14: {  	s2 =	sld [smem:$0x3F98];
	s0 =	simm.s32 @p1 $0x1  }
0x15: {  	[smem:$0x3FB5] =	sst s0;
	s0 =	simm.s32 @!p2 $0x0  }
0x16: {  	s3 =	sld [smem:$0x3FDB];
	s0 =	simm.s32 @p2 $0x1  }
0x17: {  	s4 =	simm.s32 $0x1BF5;
	[smem:$0x3FB7] =	sst s0  }
0x18: {  	s0 =	sld [smem:$0x3F9A];
	_ =	swait.ge [sflag:s4], $0x0  }
0x19: {  	s7 =	sld [smem:$0x3F9B]  }
0x1a: {  	s8 =	sadd.s32 $0xFFFFE003, lr  }
0x1b: {  	s9 =	sadd.s32 $0xFFFFFEF7, lr;
	s5 =	simm.s32 $0xFFFFFFFF;
	p2 =	slt.u32 s8, $0xFFFFF086  }
0x1c: {  	p1 =	slt.u32 s9, $0xF7A;
	s5 =	simm.s32 @!p2 $0x0  }
0x1d: {  	s5 =	simm.s32 @p1 $0x1;
	p0 =	seq.s32 s7, s2  }
0x1e: {  	s7 =	smul.u32 @!p0 $0xF7A, s2;
	p2 =	seq.s32 @!p0 s5, $0x0  }
0x1f: {  	s9 =	smul.u32 $0xF7A, s1;
	s8 =	simm.s32 @!p0 $0x1BF5;
	p2 =	por !p2, p0  }
0x20: {  	[sflag:s8] =	ssyncset.s32 @!p0 $0xFFFFF086;
	s6 =	sadd.s32 @!p0 s3, s7;
	s7 =	simm.s32 @!p0 $0x108  }
0x21: {  	s3 =	sadd.s32 s3, s9;
	s6 =	sadd.s32 @!p0 $0x88, s6;
	s7 =	simm.s32 @p2 $0x1082  }
0x22: {  	[simem:s7], [sflag:s8] =	dma.local @!p0 [hbm:s6], $0xF7A  }
0x23: {  	s9 =	sor.u32 $0xD0000000, s2;
	s6 =	simm.s32 $0x108;
	_ =	swait.ge @!p0 [sflag:s8], $0x0  }
0x24: {  	s3 =	sadd.s32 $0x88, s3;
	s6 =	simm.s32 @!p1 $0x1082;
	[sflag:s4] =	ssyncset.s32 $0xFFFFF086  }
0x25: {  	[simem:s6], [sflag:s4] =	dma.local [hbm:s3], $0xF7A  }
0x26: {  	[smem:$0x3F9B] =	sst s1;
	(tag) =	ssettag s2;
	_ =	strace s9  }
0x27: {  	s1 =	sld [smem:$0x3FAB]  }
0x28: {  	s2 =	sld [smem:$0x3FAC]  }
0x29: {  	s4 =	sld [smem:$0x3FAE]  }
0x2a: {  	p0 =	seq.s32 s5, $0x0;
	s5 =	sld [smem:$0x3FAF]  }
0x2b: {  	s6 =	sld [smem:$0x3FB0]  }
0x2c: {  	s7 =	sld [smem:$0x3FB1]  }
0x2d: {  	s3 =	simm.s32 $0x108;
	s8 =	sld [smem:$0x3FB2]  }
0x2e: {  	s3 =	simm.s32 @!p0 $0x1082;
	s9 =	sld [smem:$0x3FB3]  }
0x2f: {  	lr =	sadd.s32 s0, s3;
	s0 =	sld [smem:$0x3FAA]  }
0x30: {  	s3 =	sld [smem:$0x3FAD]  }
0x31: {  	[smem:$0x3FB6] =	sst s10  }
0x32: {  	s10 =	sld [smem:$0x3FB4];
	_ =	sdelay $0x3  }
0x33: {  	p0 =	seq.s32 s10, $0x1;
	s10 =	sld [smem:$0x3FB6];
	_ =	sdelay $0x3  }
0x34: {  	[smem:$0x3FB6] =	sst s10  }
0x35: {  	s10 =	sld [smem:$0x3FB5];
	_ =	sdelay $0x3  }
0x36: {  	p1 =	seq.s32 s10, $0x1;
	s10 =	sld [smem:$0x3FB6];
	_ =	sdelay $0x3  }
0x37: {  	[smem:$0x3FB6] =	sst s10  }
0x38: {  	s10 =	sld [smem:$0x3FB7]  }
0x39: {  	_ = 	snop;
	(pc) =	sbr.ind lr, $3  }
0x3a: {  	_ = 	snop  }
0x3b: {  	_ = 	snop  }
0x3c: {  	p2 =	seq.s32 s10, $0x1;
	s10 =	sld [smem:$0x3FB6]  }
0x3d: {  	_ =	shalt  }
0x3e: {  	_ =	shalt  }
0x3f: {  	_ =	shalt  }
0x40: {  	_ =	shalt  }
0x41: {  	_ =	shalt  }
0x42: {  	_ =	shalt  }
0x43: {  	_ =	shalt  }
0x44: {  	_ =	shalt  }
0x45: {  	_ =	shalt  }
0x46: {  	_ =	shalt  }
0x47: {  	_ =	shalt  }
0x48: {  	_ =	shalt  }
0x49: {  	_ =	shalt  }
0x4a: {  	_ =	shalt  }
0x4b: {  	_ =	shalt  }
0x4c: {  	_ =	shalt  }
0x4d: {  	_ =	shalt  }
0x4e: {  	_ =	shalt  }
0x4f: {  	_ =	shalt  }
0x50: {  	_ =	shalt  }
0x51: {  	_ =	shalt  }
0x52: {  	_ =	shalt  }
0x53: {  	_ =	shalt  }
0x54: {  	_ =	shalt  }
0x55: {  	_ =	shalt  }
0x56: {  	_ =	shalt  }
0x57: {  	_ =	shalt  }
0x58: {  	_ =	shalt  }
0x59: {  	_ =	shalt  }
0x5a: {  	_ =	shalt  }
0x5b: {  	_ =	shalt  }
0x5c: {  	_ =	shalt  }
0x5d: {  	_ =	shalt  }
0x5e: {  	_ =	shalt  }
0x5f: {  	_ =	shalt  }
0x60: {  	_ =	shalt  }
0x61: {  	_ =	shalt  }
0x62: {  	_ =	shalt  }
0x63: {  	_ =	shalt  }
0x64: {  	_ =	shalt  }
0x65: {  	_ =	shalt  }
0x66: {  	_ =	shalt  }
0x67: {  	_ =	shalt  }
0x68: {  	_ =	shalt  }
0x69: {  	_ =	shalt  }
0x6a: {  	_ =	shalt  }
0x6b: {  	_ =	shalt  }
0x6c: {  	_ =	shalt  }
0x6d: {  	_ =	shalt  }
0x6e: {  	_ =	shalt  }
0x6f: {  	_ =	shalt  }
0x70: {  	_ =	shalt  }
0x71: {  	_ =	shalt  }
0x72: {  	_ =	shalt  }
0x73: {  	_ =	shalt  }
0x74: {  	_ =	shalt  }
0x75: {  	_ =	shalt  }
0x76: {  	_ =	shalt  }
0x77: {  	_ =	shalt  }
0x78: {  	_ =	shalt  }
0x79: {  	_ =	shalt  }
0x7a: {  	_ =	shalt  }
0x7b: {  	_ =	shalt  }
0x7c: {  	_ =	shalt  }
0x7d: {  	_ =	shalt  }
0x7e: {  	_ =	shalt  }
0x7f: {  	_ =	shalt  }
0x80: {  	_ =	shalt  }
0x81: {  	_ =	shalt  }
0x82: {  	_ =	shalt  }
0x83: {  	_ =	shalt  }
0x84: {  	_ =	shalt  }
0x85: {  	_ =	shalt  }
0x86: {  	_ =	shalt  }
0x87: {  	_ =	shalt  }
.Lfunc_end0:
.L_simem_size_0:
called_computation.1_lowered:
.L_overlay_start_0:
0x88: {  	s2 =	sld [smem:$0x3FD9]  }
0x89: {  	s3 =	sld [smem:$0x3FFE];
	_ =	sdelay $0x1  }
0x8a: {  	s1 =	srdreg.scid  }
0x8b: {  	s0 =	sand.u32 $0x1, s1  }
0x8c: {  	s17 =	sshll.u32 s0, $0xA;
	s2 =	sadd.s32 s3, s2  }
0x8d: {  	s2 =	sadd.s32 s2, s17  }
0x8e: {  	[smem:$0x3FC2] =	sst s2  }
0x8f: {  	_ = 	snop  }
0x90: {  	s2 =	sld [smem:$0x3FC9];
	(tm) =	ssettm $0x1  }
0x91: {  	s18 =	sld [smem:$0x3FFB];
	_ =	sdelay $0x3  }
0x92: {  	_ =	strace s18  }
0x93: {  	s3 =	sld [smem:$0x3FFC];
	_ =	sdelay $0x3  }
0x94: {  	_ =	strace s3  }
0x95: {  	s3 =	sld [smem:$0x3FFD];
	_ =	sdelay $0x3  }
0x96: {  	_ =	strace s3  }
0x97: {  	_ =	strace $0x8FFFFFFF  }
0x98: {  	s19 =	sld [smem:$0x3FDB];
	_ =	sdelay $0x1  }
0x99: {  	s4 =	simm.s32 $_scs_section_size  }
0x9a: {  	s5 =	simm.s32 $_size__tile_overlayer_lowered;
	s6 =	simm.s32 $_tile_overlayer_lowered  }
0x9b: {  	s22 =	simm.s32 $0x1BFF;
	s21 =	sshll.u32 s6, $0x1;
	s3 =	sadd.s32 s4, s19  }
0x9c: {  	s7 =	simm.s32 $0x0;
	s20 =	sshll.u32 s5, $0x1;
	s5 =	sadd.s32 s21, s3  }
0x9d: {  	[timem:s7], [sflag:s22] =	dma.local [hbm:s5], s20  }
0x9e: {  	_ =	swait.ge [sflag:s22], s20  }
0x9f: {  	s4 =	ssub.s32 $0x0, s20;
	[sflag:s22] =	ssyncset.done $0x0  }
0xa0: {  	[sflag:s22] =	ssyncadd.s32 s4;
	_ =	sdelay $0x1  }
0xa1: {  	s23 =	simm.s32 $0x1B8B  }
0xa2: {  	_ =	swait.ge [sflag:s23], $0x1  }
0xa3: {  	[sflag:s23] =	ssyncset.done $0x0  }
0xa4: {  	s25 =	simm.s32 $0x1B8E;
	s24 =	sld [smem:$0x3FFE];
	[sflag:s23] =	ssyncadd.s32 $0xFFFFFFFF  }
0xa5: {  	s26 =	simm.s32 $execute0_lowered;
	[smem:$0x3FD2] =	sst s25  }
0xa6: {  	s5 =	sshll.u32 s26, $0x1;
	_ =	strace $0x80000049;
	[dreg:$0x1] =	wrdreg $0xFFFFFFFF  }
0xa7: {  	s28 =	simm.s32 $_size_execute0_lowered;
	s3 =	sadd.s32 s3, s5;
	[dreg:$0x0] =	wrdreg $0x0  }
0xa8: {  	s5 =	sshll.u32 s28, $0x1;
	[dreg:$0x2] =	wrdreg s3  }
0xa9: {  	[dreg:$0x3] =	wrdreg s5  }
0xaa: {  	[dreg:$0x4] =	wrdreg $0xC0  }
0xab: {  	_ =	task [dreg:s7], $0x5FFFF  }
0xac: {  	[dreg:$0x1] =	wrdreg $0xFFFFFFFF  }
0xad: {  	[dreg:$0x0] =	wrdreg $0x60  }
0xae: {  	[dreg:$0x2] =	wrdreg s24  }
0xaf: {  	[dreg:$0x3] =	wrdreg s2  }
0xb0: {  	[dreg:$0x4] =	wrdreg $0x78000  }
0xb1: {  	[dreg:$0x5] =	wrdreg $0x9  }
0xb2: {  	_ =	task.clear_ibuf [dreg:s7], $0x6FFFF;
	_ =	strace $0x90000049  }
0xb3: {  	s29 =	simm.s32 $0x9;
	_ =	strace $0x8000004B  }
0xb4: {  	_ =	swait.ge [sflag:s29], $0x1  }
0xb5: {  	[sflag:s29] =	ssyncadd.s32 $0xFFFFFFFF  }
0xb6: {  	_ =	strace $0x9000004B  }
0xb7: {  	_ =	sfence  }
0xb8: {  	s30 =	sld [smem:$0x0];
	_ =	sdelay $0x2  }
0xb9: {  	s31 =	sshll.u32 s1, $0xD;
	s1 =	sshrl.u32 s1, $0x2  }
0xba: {  	s3 =	sand.u32 $0x4000, s31;
	s1 =	sadd.s32 s1, s30  }
0xbb: {  	s0 =	sor.u32 s3, s0;
	s1 =	sshll.u32 s1, $0x11  }
0xbc: {  	s0 =	sor.u32 s1, s0  }
0xbd: {  	s0 =	sadd.s32 $0x8F2B, s0  }
0xbe: {  	[sflag:s0] =	ssyncadd.remote.s32 $0x1  }
0xbf: {  	_ =	sfence.sel $0xFFFF  }
0xc0: {  	[dreg:$0x0] =	wrdreg $0xFFFFFFFF;
	(pc) =	sbr.abs _section_cstart, $3  }
0xc1: {  	[dreg:$0x1] =	wrdreg $0xFFFFFFFF  }
0xc2: {  	_ =	task.clear_ibuf [dreg:s7], $0x2FFFF;
	_ =	strace $0x9FFFFFFF  }
0xc3: {  	(tm) =	ssettm $0x7FFFFFFF  }
tec
execute0_lowered:
.L_overlay_start_1:
0x0: {  	(tag) =	ssettag $0x1  }
0x1: {  	s10 =	rddreg [dreg:$0x0]  }
0x2: {  	s1 =	rddreg [dreg:$0x1]  }
0x3: {  	s2 =	rddreg [dreg:$0x2]  }
0x4: {  	s0 =	rddreg [dreg:$0x3];
	s3 =	simm.s32 $0x0;
	s4 =	srdreg.scid  }
0x5: {  	s16 =	simm.s32 $0x3800;
	s17 =	simm.s32 $0x7000;
	s18 =	simm.s32 $0x800  }
0x6: {  	s19 =	simm.s32 $0x2;
	[smem:$0x7FF] =	sst s3;
	s20 =	sand.u32 $0x1, s4  }
0x7: {  	s4 =	stileid.u32;
	s5 =	sadd.s32 $0x2400, s10;
	s6 =	sadd.s32 $0x15E00, s10  }
0x8: {  	s7 =	sadd.s32 $0x16400, s10;
	_ =	strace $0x8000004A;
	s8 =	smul.u32 $0x140000, s20  }
0x9: {  	s9 =	smul.u32 $0x14000, s4;
	s11 =	sshll.u32 s20, $0x4;
	s12 =	ssub.s32 $0x2, s20  }
0xa: {  	s14 =	smul.u32 $0x50000, s4;
	p0 =	sne.s32 s20, $0x0;
	s11 =	sor.u32 s4, s11  }
0xb: {  	s13 =	sshrl.u32 s12, $0x1;
	s9 =	sadd.s32 s9, s8;
	s8 =	smul.u32 $0x2710, s11  }
.Ltmp0:
0xc: {  	s13 =	ssub.s32 s12, s13;
	s14 =	sshrl.u32 s14, $0x2;
	(pc) =	sbr.rel .LBB2_1-.Ltmp0, $4  }
0xd: {  	v0 =	vlaneseq.u32;
	s31 =	sshrl.u32 s9, $0x3;
	s9 =	sadd.s32 $0x16A00, s10;
	s21 =	sadd.s32 s14, s2  }
0xe: {  	v1 =	vmul.u32 $0xFFFFFFFF, v0;
	s13 =	smax.u32 s13, $0x1;
	s14 =	simm.s32 $0x1000;
	s15 =	sadd.s32 s31, s10  }
0xf: {  	v2 =	vimm.s32 $0x0;
	v3 =	vimm.s32 $0x2710;
	s10 =	smul.u32 $0x271, s4;
	s11 =	sadd.s32 $0x4E200, s8;
	s20 =	sshrl.u32 s21, $0x3  }
0x10: {  	vm0 =	vmmov $0xffff;
	v4 =	vmul.u32 $0x80, v0;
	v1 =	vadd.s32 $0x271, v1;
	s21 =	simm.s32 $0x0;
	s12 =	sadd.s32 $0x16C00, s15;
	s15 =	simm.s32 $0x1  }
.LBB2_18:
0x11: {  	s21 =	sadd.s32 $0x1, s21  }
0x12: {  	s22 =	sshll.u32 s4, $0x6;
	p1 =	sne.s32 s21, s13  }
.Ltmp1:
0x13: {  	[bflag:$0x0] =	sbarrier.arrive $0xFFFF;
	s22 =	sor.u32 $0x1C02, s22;
	(pc) =	sbr.rel @!p1 .LBB2_19-.Ltmp1, $4  }
0x14: {  	[hbm:s12], [sflag:s22] =	dma.local [spmem:s20], $0x2800  }
0x15: {  	_ =	swait.ge [sflag:s19], $0x2800  }
0x16: {  	[sflag:s19] =	ssyncset.done $0x0  }
0x17: {  	[sflag:s19] =	ssyncadd.s32 $0xFFFFD800  }
.LBB2_1:
0x18: {  	[tilespmem:s14], [sflag:$0x1] =	stream.linear.gather [hbm4b:s6+s3], $0x2800, $0x38;
	[tilespmem:$0x1B800] =	vst v63  }
0x19: {  	_ =	swait.ge [sflag:s15], $0x2800  }
0x1a: {  	[sflag:s15] =	ssyncset.done $0x0  }
0x1b: {  	[sflag:s15] =	ssyncadd.s32 $0xFFFFD800  }
0x1c: {  	[tilespmem:s16], [sflag:$0x1] =	stream.linear.gather [hbm4b:s7+s3], $0x2800, $0x38;
	[tilespmem:$0x1B800] =	vst v63  }
0x1d: {  	_ =	swait.ge [sflag:s15], $0x2800  }
0x1e: {  	s22 =	sadd.s32 $0x0, s10;
	[sflag:s15] =	ssyncset.done $0x0  }
0x1f: {  	v5 =	vadd.s32 s22, v0;
	[sflag:s15] =	ssyncadd.s32 $0xFFFFD800  }
0x20: {  	[tilespmem:s17], [sflag:$0x1] =	stream.linear.gather [hbm4b:s9+s3], $0x800, $0x38;
	[tilespmem:$0x1B800] =	vst v63  }
0x21: {  	_ =	swait.ge [sflag:s15], $0x800  }
0x22: {  	[sflag:s15] =	ssyncset.done $0x0  }
0x23: {  	[sflag:s15] =	ssyncadd.s32 $0xFFFFF800  }
0x24: {  	v6 =	vld.idx.msk [tilespmem:v5+s14+$0x0], $0xffff;
	_ =	sdelay $0x3  }
0x25: {  	v7 =	vmov s3  }
0x26: {  	vm2 =	vlt.u32 v7, v1;
	vm1 =	vne.s32 v6, $0x0  }
0x27: {  	vm1 =	vmand vm2, vm1  }
0x28: {  	v6 =	vsel vm1, $0x1, v2  }
0x29: {  	(xrf0) =	vadd.scan.msk.s32 $0xffff, v6;
	_ =	sdelay $0x5  }
0x2a: {  	v6, _, _ =	vpop (xrf0)  }
0x2b: {  	(v2sf) =	vpush v6, $0xF;
	_ =	sdelay $0xe  }
0x2c: {  	s31 =	spop (v2sf)  }
0x2d: {  	p2 =	slt.s32 s31, $0x1  }
0x2e: {  	v5 =	vnsel @!p2 vm1, $0x2710, v5;
	_ =	sdelay $0x3  }
0x2f: {  	s25 =	sadd.s32 $0x10, s10;
	vm1 =	vmmov @!p2 $0xffff;
	s22 =	simm.s32 @!p2 $0x7000  }
0x30: {  	[spmem:s2] =	stream.indirect_vreg.scatter @!p2 [tilespmem:s22], [sflag:$0x2], $0x80, v5, vm1, $0xb8;
	v5 =	vadd.s32 s25, v0;
	[tilespmem:$0x1B800] =	vst v63  }
0x31: {  	s24 =	simm.s32 @!p2 $0x2  }
0x32: {  	_ =	swait.ge @!p2 [sflag:s24], $0x800  }
0x33: {  	s23 =	simm.s32 $0x20;
	s22 =	simm.s32 $0x10;
	[sflag:s24] =	ssyncset.done @!p2 $0x0  }
.LBB2_2:
0x34: {  	[sflag:s24] =	ssyncadd.s32 @!p2 $0xFFFFF800;
	s24 =	smov.u32 s23;
	s23 =	sadd.s32 $0x10, s23  }
0x35: {  	p1 =	sne.s32 s23, $0x280;
	v6 =	vld.idx.msk [tilespmem:v5+s14+$0x0], $0xffff;
	_ =	sdelay $0x4  }
0x36: {  	v7 =	vmov s22;
	s22 =	smov.u32 s24  }
0x37: {  	vm2 =	vlt.u32 v7, v1;
	vm1 =	vne.s32 v6, $0x0  }
0x38: {  	vm1 =	vmand vm2, vm1  }
0x39: {  	v6 =	vsel vm1, $0x1, v2  }
0x3a: {  	(xrf0) =	vadd.scan.msk.s32 $0xffff, v6;
	_ =	sdelay $0x5  }
0x3b: {  	v6, _, _ =	vpop (xrf0)  }
0x3c: {  	(v2sf) =	vpush v6, $0xF;
	_ =	sdelay $0xe  }
0x3d: {  	s24 =	spop (v2sf)  }
0x3e: {  	p2 =	slt.s32 s24, $0x1  }
0x3f: {  	v6 =	vnsel @!p2 vm1, $0x2710, v5;
	_ =	sdelay $0x2  }
.Ltmp2:
0x40: {  	s24 =	sadd.s32 s22, s10;
	(pc) =	sbr.rel @p1 .LBB2_2-.Ltmp2, $4  }
0x41: {  	v5 =	vadd.s32 s24, v0;
	vm1 =	vmmov @!p2 $0xffff;
	s25 =	simm.s32 @!p2 $0x7000;
	s24 =	simm.s32 @!p2 $0x2  }
0x42: {  	[spmem:s2] =	stream.indirect_vreg.scatter @!p2 [tilespmem:s25], [sflag:$0x2], $0x80, v6, vm1, $0xb8;
	[tilespmem:$0x1B800] =	vst v63  }
0x43: {  	_ =	swait.ge @!p2 [sflag:s24], $0x800  }
0x44: {  	[sflag:s24] =	ssyncset.done @!p2 $0x0  }
0x45: {  	_ =	sdelay $0x2  }
0x46: {  	[sflag:s24] =	ssyncadd.s32 @!p2 $0xFFFFF800  }
0x47: {  	v6 =	vld.idx.msk [tilespmem:v5+s14+$0x0], $0xffff;
	_ =	sdelay $0x3  }
0x48: {  	v7 =	vmov s22  }
0x49: {  	vm2 =	vlt.u32 v7, v1;
	vm1 =	vne.s32 v6, $0x0  }
0x4a: {  	vm1 =	vmand vm2, vm1  }
0x4b: {  	v6 =	vsel vm1, $0x1, v2  }
0x4c: {  	(xrf0) =	vadd.scan.msk.s32 $0xffff, v6;
	_ =	sdelay $0x5  }
0x4d: {  	v6, _, _ =	vpop (xrf0)  }
0x4e: {  	(v2sf) =	vpush v6, $0xF;
	_ =	sdelay $0xe  }
0x4f: {  	s31 =	spop (v2sf)  }
0x50: {  	p1 =	slt.s32 s31, $0x1  }
0x51: {  	v5 =	vnsel @!p1 vm1, $0x2710, v5;
	_ =	sdelay $0x3  }
0x52: {  	vm1 =	vmmov @!p1 $0xffff;
	s22 =	simm.s32 @!p1 $0x7000;
	s23 =	simm.s32 @!p1 $0x2  }
0x53: {  	[spmem:s2] =	stream.indirect_vreg.scatter @!p1 [tilespmem:s22], [sflag:$0x2], $0x80, v5, vm1, $0xb8;
	[tilespmem:$0x1B800] =	vst v63  }
.Ltmp3:
0x54: {  	_ =	swait.ge @!p1 [sflag:s23], $0x800;
	(pc) =	sbr.rel .LBB2_4-.Ltmp3, $4  }
0x55: {  	[sflag:s23] =	ssyncset.done @!p1 $0x0  }
0x56: {  	[sflag:s23] =	ssyncadd.s32 @!p1 $0xFFFFF800  }
0x57: {  	[bflag:$0x0] =	sbarrier.arrive $0xFFFF  }
0x58: {  	s22 =	simm.s32 $0x0;
	s23 =	simm.s32 $0x0  }
.LBB2_10:
0x59: {  	s23 =	sadd.s32 $0x1, s23  }
0x5a: {  	p1 =	sne.s32 s23, $0x5  }
.Ltmp4:
0x5b: {  	_ = 	snop;
	(pc) =	sbr.rel @!p1 .LBB2_11-.Ltmp4, $1  }
0x5c: {  	_ =	sdelay $0x3  }
.LBB2_4:
0x5d: {  	s24 =	smul.u32 $0x7D0, s23;
	_ =	sdelay $0x1  }
0x5e: {  	s25 =	sadd.s32 s8, s24  }
0x5f: {  	s25 =	sshrl.u32 s25, $0x3  }
0x60: {  	s25 =	sadd.s32 s5, s25  }
0x61: {  	[tilespmem:s22], [sflag:$0x1] =	stream.linear.gather [hbm4b:s25+s22], $0x7D0, $0x38;
	[tilespmem:$0x1B800] =	vst v63  }
0x62: {  	s24 =	sadd.s32 s24, s11;
	_ =	swait.ge [sflag:s15], $0x7D0  }
0x63: {  	s24 =	sshrl.u32 s24, $0x3;
	[sflag:s15] =	ssyncset.done $0x0  }
0x64: {  	s24 =	sadd.s32 s5, s24;
	[sflag:s15] =	ssyncadd.s32 $0xFFFFF830  }
0x65: {  	[tilespmem:s18], [sflag:$0x1] =	stream.linear.gather [hbm4b:s24+s22], $0x7D0, $0x38;
	[tilespmem:$0x1B800] =	vst v63  }
0x66: {  	_ =	swait.ge [sflag:s15], $0x7D0  }
0x67: {  	[sflag:s15] =	ssyncset.done $0x0  }
0x68: {  	s31 =	simm.s32 $0x0;
	[sflag:s15] =	ssyncadd.s32 $0xFFFFF830  }
0x69: {  	v5 =	vld [tilespmem:s31+$0x800];
	_ =	sdelay $0x7  }
0x6a: {  	v6 =	vld.idx.msk [tilespmem:v5+s14+$0x0], $0xffff;
	_ =	sdelay $0x4  }
0x6b: {  	v7 =	vld [tilespmem:s31+$0x0];
	vm1 =	vne.s32 v6, $0x0  }
0x6c: {  	v6 =	vsel vm1, $0x1, v2  }
0x6d: {  	(xrf0) =	vadd.scan.msk.s32 $0xffff, v6;
	_ =	sdelay $0x2  }
0x6e: {  	[tilespmem:s22+$0x6000] =	vst.msk vm1, v7  }
0x6f: {  	s26 =	simm.s32 $0x80;
	s25 =	simm.s32 $0x10;
	s24 =	simm.s32 $0x0;
	[tilespmem:s22+$0x6800] =	vst.msk vm1, v5  }
.LBB2_5:
0x70: {  	p1 =	sne.s32 s26, $0x1F00;
	v5 =	vld [tilespmem:s25+$0x800]  }
0x71: {  	v6, _, _ =	vpop (xrf0)  }
0x72: {  	(v2sf) =	vpush v6, $0xF;
	_ =	sdelay $0x5  }
0x73: {  	v6 =	vld.idx.msk [tilespmem:v5+s14+$0x0], $0xffff;
	_ =	sdelay $0x5  }
0x74: {  	vm1 =	vne.s32 v6, $0x0;
	v7 =	vld [tilespmem:s25+$0x0]  }
0x75: {  	v6 =	vsel vm1, $0x1, v2  }
.Ltmp5:
0x76: {  	(xrf0) =	vadd.scan.msk.s32 $0xffff, v6;
	(pc) =	sbr.rel @p1 .LBB2_5-.Ltmp5, $4  }
0x77: {  	s25 =	spop (v2sf)  }
0x78: {  	s24 =	sadd.s32 s24, s25  }
0x79: {  	[tilespmem:s24+$0x6000] =	vst.msk vm1, v7  }
0x7a: {  	s25 =	sshra.s32 s26, $0x2;
	s26 =	sadd.s32 $0x40, s26;
	[tilespmem:s24+$0x6800] =	vst.msk vm1, v5  }
0x7b: {  	v5 =	vld [tilespmem:s25+$0x800];
	_ =	sdelay $0x7  }
0x7c: {  	v6 =	vld.idx.msk [tilespmem:v5+s14+$0x0], $0xffff;
	_ =	sdelay $0x4  }
0x7d: {  	vm1 =	vne.s32 v6, $0x0  }
0x7e: {  	v6 =	vsel vm1, $0x1, v2  }
0x7f: {  	(xrf0) =	vadd.scan.msk.s32 $0xffff, v6;
	_ =	sdelay $0x4  }
0x80: {  	v6, _, _ =	vpop (xrf0)  }
0x81: {  	(v2sf) =	vpush v6, $0xF;
	v6, _, _ =	vpop (xrf0)  }
0x82: {  	(v2sf) =	vpush v6, $0xF;
	_ =	sdelay $0xd  }
0x83: {  	s26 =	spop (v2sf)  }
0x84: {  	s24 =	sadd.s32 s24, s26;
	s29 =	spop (v2sf)  }
0x85: {  	s26 =	sadd.s32 s24, s29  }
0x86: {  	v6 =	vld [tilespmem:s25+$0x0];
	s30 =	sadd.s32 $0xF, s26  }
0x87: {  	s28 =	sand.u32 $0xF, s30  }
0x88: {  	s31 =	sshra.s32 s30, $0x1F;
	p2 =	slt.s32 s30, $0x1;
	p1 =	sne.s32 s28, $0x0  }
0x89: {  	s28 =	sshrl.u32 s31, $0x1C;
	p1 =	por !p2, !p1  }
0x8a: {  	s25 =	sadd.s32 s28, s30;
	s28 =	simm.s32 $0x1;
	p1 =	por !p1, !p1  }
0x8b: {  	[tilespmem:s24+$0x6000] =	vst.msk vm1, v6;
	s25 =	sshra.s32 s25, $0x4;
	s28 =	simm.s32 @!p1 $0x0  }
0x8c: {  	[tilespmem:s24+$0x6800] =	vst.msk vm1, v5;
	s24 =	ssub.s32 s25, s28  }
0x8d: {  	p1 =	slt.s32 s24, $0x1  }
.Ltmp6:
0x8e: {  	_ = 	snop;
	(pc) =	sbr.rel @p1 .LBB2_10-.Ltmp6, $3  }
0x8f: {  	_ =	sdelay $0x1  }
0x90: {  	[tilespmem:s26+$0x6000] =	vst v2  }
0x91: {  	[tilespmem:s26+$0x6800] =	vst v3;
	s26 =	simm.s32 $0x0;
	s25 =	simm.s32 $0x0  }
.LBB2_7:
0x92: {  	s28 =	sshll.u32 s26, $0x4  }
0x93: {  	v7 =	vld [tilespmem:s28+$0x6000];
	_ =	sdelay $0x3  }
0x94: {  	v5 =	vmov s25  }
0x95: {  	v5 =	vand.u32 $0x7F, v5  }
0x96: {  	v6 =	vbroadcast v5, $0x0;
	_ =	sdelay $0x1  }
0x97: {  	v5 =	vld [tilespmem:s28+$0x6800];
	v6 =	vor.u32 v4, v6;
	[tilespmem:s17], [sflag:$0x1] =	stream.indirect_vreg.gather [hbm4b:s1+s25], $0x80, v7, vm0, $0xb8  }
0x98: {  	_ =	swait.ge [sflag:s15], $0x800  }
0x99: {  	[sflag:s15] =	ssyncset.done $0x0  }
0x9a: {  	[sflag:s15] =	ssyncadd.s32 $0xFFFFF800  }
0x9b: {  	s28 =	simm.s32 $0x1;
	v7 =	vld.idx.msk [tilespmem:v7+s16+$0x0], $0xffff  }
0x9c: {  	v9 =	vmov s28;
	s28 =	simm.s32 $0x2;
	v8 =	vld.idx.msk [tilespmem:v6+s17+$0x0], $0xffff  }
.LBB2_8:
0x9d: {  	p1 =	sne.s32 s28, $0x7F;
	v9 =	vand.u32 $0x7F, v9  }
0x9e: {  	v9 =	vbroadcast v9, $0x0;
	_ =	sdelay $0x1  }
0x9f: {  	v10 =	vor.u32 v4, v9  }
.Ltmp7:
0xa0: {  	(pc) =	sbr.rel @p1 .LBB2_8-.Ltmp7, $3  }
0xa1: {  	v8 =	vmul.f32 v8, v7;
	_ =	sdelay $0x1  }
0xa2: {  	[tilespmem:v6+s17+$0x0] =	vst.idx.msk $0xffff, v8;
	v6 =	vmov v10  }
0xa3: {  	v9 =	vmov s28;
	s28 =	sadd.s32 $0x1, s28;
	v8 =	vld.idx.msk [tilespmem:v10+s17+$0x0], $0xffff  }
0xa4: {  	v9 =	vand.u32 $0x7F, v9  }
0xa5: {  	v9 =	vbroadcast v9, $0x0;
	_ =	sdelay $0x1  }
0xa6: {  	v9 =	vor.u32 v4, v9;
	_ =	sdelay $0x1  }
0xa7: {  	v8 =	vmul.f32 v8, v7;
	_ =	sdelay $0x1  }
0xa8: {  	[tilespmem:v6+s17+$0x0] =	vst.idx.msk $0xffff, v8  }
0xa9: {  	v6 =	vld.idx.msk [tilespmem:v9+s17+$0x0], $0xffff;
	_ =	sdelay $0x4  }
0xaa: {  	v6 =	vmul.f32 v6, v7  }
0xab: {  	s26 =	sadd.s32 $0x1, s26  }
0xac: {  	p1 =	sne.s32 s26, s24;
	[tilespmem:v9+s17+$0x0] =	vst.idx.msk $0xffff, v6  }
0xad: {  	[spmem:s2] =	stream.indirect_vreg.scatter.add.f32 [tilespmem:s17], [sflag:$0x2], $0x80, v5, vm0, $0xb8;
	[tilespmem:$0x1B800] =	vst v63  }
.Ltmp8:
0xae: {  	_ = 	snop;
	(pc) =	sbr.rel @p1 .LBB2_7-.Ltmp8, $4  }
.Ltmp9:
0xaf: {  	_ = 	snop;
	(pc) =	sbr.rel @!p1 .LBB2_10-.Ltmp9, $4  }
0xb0: {  	_ =	swait.ge [sflag:s19], $0x800  }
0xb1: {  	[sflag:s19] =	ssyncset.done $0x0  }
0xb2: {  	[sflag:s19] =	ssyncadd.s32 $0xFFFFF800  }
0xb3: {  	_ = 	snop  }
.LBB2_11:
.Ltmp10:
0xb4: {  	(pc) =	sbr.rel @p0 .LBB2_18-.Ltmp10, $2  }
0xb5: {  	_ =	sdelay $0x2  }
0xb6: {  	s22 =	simm.s32 $0x0  }
0xb7: {  	s23 =	sadd.s32 $0x0, s10  }
0xb8: {  	v6 =	vadd.s32 s23, v0;
	_ =	sdelay $0x4  }
0xb9: {  	v7 =	vld.idx.msk [tilespmem:v6+s14+$0x0], $0xffff;
	_ =	sdelay $0x3  }
0xba: {  	v8 =	vmov s22  }
0xbb: {  	vm2 =	vlt.u32 v8, v1;
	vm1 =	vne.s32 v7, $0x0  }
0xbc: {  	vm1 =	vmand vm2, vm1  }
0xbd: {  	[tilespmem:s22+$0x6000] =	vst.msk vm1, v6  }
0xbe: {  	[tilespmem:s22+$0x6800] =	vst.msk vm1, v6;
	v6 =	vsel vm1, $0x1, v2  }
0xbf: {  	(xrf0) =	vadd.scan.msk.s32 $0xffff, v6;
	_ =	sdelay $0x1  }
0xc0: {  	s31 =	simm.s32 $0x10  }
0xc1: {  	v6 =	vmov s31  }
0xc2: {  	s30 =	sadd.s32 $0x10, s10  }
0xc3: {  	v5 =	vadd.s32 s30, v0  }
0xc4: {  	vm2 =	vlt.u32 v6, v1;
	v6, _, _ =	vpop (xrf0)  }
0xc5: {  	(v2sf) =	vpush v6, $0xF;
	_ =	sdelay $0x2  }
0xc6: {  	v7 =	vld.idx.msk [tilespmem:v5+s14+$0x0], $0xffff;
	_ =	sdelay $0x4  }
0xc7: {  	vm1 =	vne.s32 v7, $0x0  }
0xc8: {  	vm1 =	vmand vm2, vm1  }
0xc9: {  	v7 =	vsel vm1, $0x1, v2  }
0xca: {  	(xrf0) =	vadd.scan.msk.s32 $0xffff, v7;
	_ =	sdelay $0x2  }
0xcb: {  	s25 =	sadd.s32 $0x20, s10;
	s24 =	simm.s32 $0x30;
	s23 =	simm.s32 $0x20  }
.LBB2_13:
0xcc: {  	p1 =	sne.s32 s24, $0x270;
	v6 =	vadd.s32 s25, v0;
	s25 =	spop (v2sf)  }
0xcd: {  	s22 =	sadd.s32 s22, s25  }
0xce: {  	[tilespmem:s22+$0x6000] =	vst.msk vm1, v5;
	v7, _, _ =	vpop (xrf0)  }
0xcf: {  	[tilespmem:s22+$0x6800] =	vst.msk vm1, v5;
	(v2sf) =	vpush v7, $0xF;
	v5 =	vmov v6;
	_ =	sdelay $0x1  }
0xd0: {  	v6 =	vld.idx.msk [tilespmem:v6+s14+$0x0], $0xffff;
	_ =	sdelay $0x4  }
0xd1: {  	v7 =	vmov s23;
	s23 =	smov.u32 s24  }
0xd2: {  	vm2 =	vlt.u32 v7, v1;
	vm1 =	vne.s32 v6, $0x0  }
0xd3: {  	vm1 =	vmand vm2, vm1  }
.Ltmp11:
0xd4: {  	v6 =	vsel vm1, $0x1, v2;
	(pc) =	sbr.rel @p1 .LBB2_13-.Ltmp11, $2  }
0xd5: {  	(xrf0) =	vadd.scan.msk.s32 $0xffff, v6;
	_ =	sdelay $0x2  }
0xd6: {  	s24 =	sadd.s32 $0x10, s24;
	s25 =	sadd.s32 s23, s10  }
0xd7: {  	v6 =	vadd.s32 s25, v0  }
0xd8: {  	s24 =	spop (v2sf)  }
0xd9: {  	s22 =	sadd.s32 s22, s24  }
0xda: {  	[tilespmem:s22+$0x6000] =	vst.msk vm1, v5  }
0xdb: {  	[tilespmem:s22+$0x6800] =	vst.msk vm1, v5  }
0xdc: {  	v5 =	vld.idx.msk [tilespmem:v6+s14+$0x0], $0xffff;
	_ =	sdelay $0x3  }
0xdd: {  	v7 =	vmov s23  }
0xde: {  	vm2 =	vlt.u32 v7, v1;
	vm1 =	vne.s32 v5, $0x0  }
0xdf: {  	vm1 =	vmand vm2, vm1  }
0xe0: {  	v5 =	vsel vm1, $0x1, v2  }
0xe1: {  	(xrf0) =	vadd.scan.msk.s32 $0xffff, v5;
	_ =	sdelay $0x4  }
0xe2: {  	v5, _, _ =	vpop (xrf0)  }
0xe3: {  	(v2sf) =	vpush v5, $0xF;
	v5, _, _ =	vpop (xrf0)  }
0xe4: {  	(v2sf) =	vpush v5, $0xF;
	_ =	sdelay $0xd  }
0xe5: {  	s26 =	spop (v2sf)  }
0xe6: {  	s22 =	sadd.s32 s22, s26;
	s28 =	spop (v2sf)  }
0xe7: {  	s23 =	sadd.s32 s22, s28  }
0xe8: {  	s29 =	sadd.s32 $0xF, s23  }
0xe9: {  	s30 =	sand.u32 $0xF, s29  }
0xea: {  	s31 =	sshra.s32 s29, $0x1F;
	p2 =	slt.s32 s29, $0x1;
	p1 =	sne.s32 s30, $0x0  }
0xeb: {  	s25 =	sshrl.u32 s31, $0x1C;
	p1 =	por !p2, !p1  }
0xec: {  	s24 =	sadd.s32 s25, s29;
	s25 =	simm.s32 $0x1;
	p1 =	por !p1, !p1  }
0xed: {  	[tilespmem:s22+$0x6000] =	vst.msk vm1, v6;
	s24 =	sshra.s32 s24, $0x4;
	s25 =	simm.s32 @!p1 $0x0  }
0xee: {  	[tilespmem:s22+$0x6800] =	vst.msk vm1, v6;
	s22 =	ssub.s32 s24, s25  }
0xef: {  	p1 =	slt.s32 s22, $0x1  }
.Ltmp12:
0xf0: {  	_ = 	snop;
	(pc) =	sbr.rel @p1 .LBB2_18-.Ltmp12, $3  }
0xf1: {  	_ =	sdelay $0x1  }
0xf2: {  	[tilespmem:s23+$0x6000] =	vst v2  }
0xf3: {  	[tilespmem:s23+$0x6800] =	vst v3;
	s23 =	simm.s32 $0x0;
	s24 =	simm.s32 $0x0  }
.LBB2_15:
0xf4: {  	s25 =	sshll.u32 s24, $0x4  }
0xf5: {  	v7 =	vld [tilespmem:s25+$0x6000];
	_ =	sdelay $0x3  }
0xf6: {  	v5 =	vmov s23  }
0xf7: {  	v5 =	vand.u32 $0x7F, v5  }
0xf8: {  	v6 =	vbroadcast v5, $0x0;
	_ =	sdelay $0x1  }
0xf9: {  	v5 =	vld [tilespmem:s25+$0x6800];
	v6 =	vor.u32 v4, v6;
	[tilespmem:s17], [sflag:$0x1] =	stream.indirect_vreg.gather [hbm4b:s1+s23], $0x80, v7, vm0, $0xb8  }
0xfa: {  	_ =	swait.ge [sflag:s15], $0x800  }
0xfb: {  	[sflag:s15] =	ssyncset.done $0x0  }
0xfc: {  	[sflag:s15] =	ssyncadd.s32 $0xFFFFF800  }
0xfd: {  	s31 =	simm.s32 $0x1;
	v7 =	vld.idx.msk [tilespmem:v7+s16+$0x0], $0xffff  }
0xfe: {  	v9 =	vmov s31;
	s25 =	simm.s32 $0x2;
	v8 =	vld.idx.msk [tilespmem:v6+s17+$0x0], $0xffff  }
.LBB2_16:
0xff: {  	p1 =	sne.s32 s25, $0x7F;
	v9 =	vand.u32 $0x7F, v9  }
0x100: {  	v9 =	vbroadcast v9, $0x0;
	_ =	sdelay $0x1  }
0x101: {  	v10 =	vor.u32 v4, v9  }
.Ltmp13:
0x102: {  	(pc) =	sbr.rel @p1 .LBB2_16-.Ltmp13, $3  }
0x103: {  	v8 =	vmul.f32 v8, v7;
	_ =	sdelay $0x1  }
0x104: {  	[tilespmem:v6+s17+$0x0] =	vst.idx.msk $0xffff, v8;
	v6 =	vmov v10  }
0x105: {  	v9 =	vmov s25;
	s25 =	sadd.s32 $0x1, s25;
	v8 =	vld.idx.msk [tilespmem:v10+s17+$0x0], $0xffff  }
0x106: {  	v9 =	vand.u32 $0x7F, v9  }
0x107: {  	v9 =	vbroadcast v9, $0x0;
	_ =	sdelay $0x1  }
0x108: {  	v9 =	vor.u32 v4, v9;
	_ =	sdelay $0x1  }
0x109: {  	v8 =	vmul.f32 v8, v7;
	_ =	sdelay $0x1  }
0x10a: {  	[tilespmem:v6+s17+$0x0] =	vst.idx.msk $0xffff, v8  }
0x10b: {  	v6 =	vld.idx.msk [tilespmem:v9+s17+$0x0], $0xffff;
	_ =	sdelay $0x4  }
0x10c: {  	v6 =	vmul.f32 v6, v7  }
0x10d: {  	s24 =	sadd.s32 $0x1, s24  }
0x10e: {  	p1 =	sne.s32 s24, s22;
	[tilespmem:v9+s17+$0x0] =	vst.idx.msk $0xffff, v6  }
0x10f: {  	[spmem:s2] =	stream.indirect_vreg.scatter.add.f32 [tilespmem:s17], [sflag:$0x2], $0x80, v5, vm0, $0xb8;
	[tilespmem:$0x1B800] =	vst v63  }
.Ltmp14:
0x110: {  	_ = 	snop;
	(pc) =	sbr.rel @p1 .LBB2_15-.Ltmp14, $4  }
.Ltmp15:
0x111: {  	_ = 	snop;
	(pc) =	sbr.rel @!p1 .LBB2_18-.Ltmp15, $4  }
0x112: {  	_ =	swait.ge [sflag:s19], $0x800  }
0x113: {  	[sflag:s19] =	ssyncset.done $0x0  }
0x114: {  	[sflag:s19] =	ssyncadd.s32 $0xFFFFF800  }
0x115: {  	_ = 	snop  }
.LBB2_19:
0x116: {  	_ =	sfence.sel $0x180000  }
0x117: {  	[bflag:$0x0] =	sbarrier.arrive $0xFFFF  }
0x118: {  	p0 =	sne.s32 s4, $0x0;
	_ =	strace $0x9000004A  }
0x119: {  	s0 =	sadd.s32 @!p0 $0x100000, s0;
	[bflag:$0x2] =	sbarrier.arrive $0xFFFF  }
0x11a: {  	[sflag:s0] =	ssyncadd.tile.s32 @!p0 $0x1;
	_ =	shalt  }
.Lfunc_end2:
_tile_overlayer_lowered:
.L_overlay_start_2:
0x11b: {  	(tag) =	ssettag $0x2  }
0x11c: {  	s0 =	rddreg [dreg:$0x0];
	s2 =	stileid.u32  }
0x11d: {  	s1 =	rddreg [dreg:$0x1];
	p0 =	sne.s32 s2, $0x0  }
0x11e: {  	s3 =	rddreg [dreg:$0x2];
	[bflag:$0x3] =	sbarrier.arrive $0xFFFF;
	s2 =	simm.s32 @!p0 $0x1C02  }
0x11f: {  	[timem:s3], [sflag:s2] =	dma.local @!p0 [hbm:s0], s1  }
0x120: {  	s0 =	simm.s32 @!p0 $0x2  }
0x121: {  	_ =	swait.ge @!p0 [sflag:s0], s1  }
0x122: {  	s1 =	ssub.s32 @!p0 $0x0, s1;
	[sflag:s0] =	ssyncset.done @!p0 $0x0  }
0x123: {  	[sflag:s0] =	ssyncadd.s32 @!p0 s1  }
0x124: {  	[bflag:$0x3] =	sbarrier.arrive $0xFFFF  }
0x125: {  	_ =	shalt  }

</sc_bundles>
